<compile_context>
chip_gen: v7x
topology: tpu7x:2x2x1
jax: 0.10.2.dev20260603
libtpu: 0.0.44.dev20260713+nightly
codegen_flags: <defaults>
</compile_context>

<pallas_src>
import functools

import jax
import jax.numpy as jnp
from jax import lax
from jax.experimental import pallas as pl
from jax.experimental.pallas import tpu as pltpu
from jax.experimental.pallas import tpu_sc as plsc

NC = 2
NS = 16
L = 16
NW = NC * NS
BATCH = 16384
NF = 32
BPW = BATCH // NW
CH = 4
CL = BPW // CH


def _mf_body(uidx_hbm, iidx_hbm, uf_hbm, if_hbm, ub_hbm, ib_hbm, gb_hbm,
             out_hbm,
             uidx_v, iidx_v, urows_v, irows_v, ub_v, ib_v, gb_v, out_v,
             *sems):
    wid = lax.axis_index("s") * NC + lax.axis_index("c")
    base = wid * BPW

    pltpu.sync_copy(uidx_hbm.at[pl.ds(base, BPW)], uidx_v)
    pltpu.sync_copy(iidx_hbm.at[pl.ds(base, BPW)], iidx_v)

    copies = []
    for c in range(CH):
        o = c * CL
        copies.append(pltpu.async_copy(
            uf_hbm.at[uidx_v.at[pl.ds(o, CL)]],
            urows_v.at[pl.ds(o, CL)], sems[c]))
        copies.append(pltpu.async_copy(
            if_hbm.at[iidx_v.at[pl.ds(o, CL)]],
            irows_v.at[pl.ds(o, CL)], sems[CH + c]))
        copies.append(pltpu.async_copy(
            ub_hbm.at[uidx_v.at[pl.ds(o, CL)]],
            ub_v.at[pl.ds(o, CL)], sems[2 * CH + c]))
        copies.append(pltpu.async_copy(
            ib_hbm.at[iidx_v.at[pl.ds(o, CL)]],
            ib_v.at[pl.ds(o, CL)], sems[3 * CH + c]))
    pltpu.sync_copy(gb_hbm, gb_v)
    for cp in copies:
        cp.wait()

    gbv = gb_v[...]
    lidx = lax.iota(jnp.int32, L)

    def blk_body(blk, carry):
        o = blk * L
        acc = ub_v[pl.ds(o, L)] + ib_v[pl.ds(o, L)] + gbv
        for j in range(L):
            e = o + j
            u0 = urows_v[e, pl.ds(0, L)]
            i0 = irows_v[e, pl.ds(0, L)]
            u1 = urows_v[e, pl.ds(L, L)]
            i1 = irows_v[e, pl.ds(L, L)]
            p = u0 * i0 + u1 * i1
            acc = jnp.where(lidx == j, acc + jnp.sum(p), acc)
        out_v[pl.ds(o, L)] = acc
        return carry

    lax.fori_loop(0, BPW // L, blk_body, 0)
    pltpu.sync_copy(out_v, out_hbm.at[pl.ds(base, BPW)])


@functools.partial(jax.jit, donate_argnums=())
def _mf(uidx, iidx, uf, itf, ub, ib, gb16):
    mesh = plsc.VectorSubcoreMesh(
        core_axis_name="c", subcore_axis_name="s",
        num_cores=NC, num_subcores=NS)
    run = pl.kernel(
        _mf_body,
        out_type=jax.ShapeDtypeStruct((BATCH,), jnp.float32),
        mesh=mesh,
        scratch_types=[
            pltpu.VMEM((BPW,), jnp.int32),
            pltpu.VMEM((BPW,), jnp.int32),
            pltpu.VMEM((BPW, NF), jnp.float32),
            pltpu.VMEM((BPW, NF), jnp.float32),
            pltpu.VMEM((BPW,), jnp.float32),
            pltpu.VMEM((BPW,), jnp.float32),
            pltpu.VMEM((L,), jnp.float32),
            pltpu.VMEM((BPW,), jnp.float32),
        ] + [pltpu.SemaphoreType.DMA] * (4 * CH),
        compiler_params=pltpu.CompilerParams(
            needs_layout_passes=False, use_tc_tiling_on_sc=False),
    )
    return run(uidx, iidx, uf, itf, ub, ib, gb16)


def kernel(user_idx, item_idx, user_factors, item_factors, user_bias,
           item_bias, global_bias):
    gb16 = jnp.broadcast_to(global_bias.astype(jnp.float32), (L,))
    return _mf(user_idx.astype(jnp.int32), item_idx.astype(jnp.int32),
               user_factors, item_factors, user_bias.reshape(-1),
               item_bias.reshape(-1), gb16)

# --- scband reference (transcript-rebuilt; emitter-appended) ---
"""Pipeline reference for scband-matrix-factorization-88330297409993 (READ-ONLY COPY).

The authoritative reference and input builder live on the scoring server;
editing this copy changes nothing except your own understanding.
"""

import jax, jax.numpy as jnp
import numpy as np

N_USERS = 1000000
N_ITEMS = 100000
N_FACTORS = 32
BATCH = 16384


def setup_inputs(seed: int = 0) -> dict:
    key = jax.random.key(seed)
    k1, k2, k3, k4, k5, k6 = jax.random.split(key, 6)
    user_idx = jax.random.randint(k1, (BATCH,), 0, N_USERS, dtype=jnp.int64) if jax.config.jax_enable_x64 else jax.random.randint(k1, (BATCH,), 0, N_USERS, dtype=jnp.int32)
    item_idx = jax.random.randint(k2, (BATCH,), 0, N_ITEMS, dtype=jnp.int64) if jax.config.jax_enable_x64 else jax.random.randint(k2, (BATCH,), 0, N_ITEMS, dtype=jnp.int32)
    user_factors = jax.random.normal(k3, (N_USERS, N_FACTORS), dtype=jnp.float32) * 0.02
    item_factors = jax.random.normal(k4, (N_ITEMS, N_FACTORS), dtype=jnp.float32) * 0.02
    user_bias = jax.random.normal(k5, (N_USERS, 1), dtype=jnp.float32) * 0.02
    item_bias = jax.random.normal(k6, (N_ITEMS, 1), dtype=jnp.float32) * 0.02
    global_bias = jnp.zeros((1,), dtype=jnp.float32)
    return {
        "user_idx": user_idx,
        "item_idx": item_idx,
        "user_factors": user_factors,
        "item_factors": item_factors,
        "user_bias": user_bias,
        "item_bias": item_bias,
        "global_bias": global_bias,
    }


def reference(user_idx, item_idx, user_factors, item_factors, user_bias, item_bias, global_bias):
    uf = jnp.take(user_factors, user_idx, axis=0)          # [B, F] gather
    itf = jnp.take(item_factors, item_idx, axis=0)         # [B, F] gather
    ub = jnp.take(user_bias, user_idx, axis=0).squeeze()   # [B]
    ib = jnp.take(item_bias, item_idx, axis=0).squeeze()   # [B]
    prediction = (uf * itf).sum(axis=1) + ub + ib + global_bias
    return prediction

if __name__ == "__main__":
    import jax
    _d = setup_inputs()
    print(jax.jit(kernel)(*tuple(_d.values())))

</pallas_src>

<mosaic_0001>
#map = affine_map<(d0, d1) -> (0)>
#map1 = affine_map<(d0, d1) -> (0, 0)>
module attributes {stable_mosaic.version = 14 : i64} {
  func.func @_mf_body(%arg0: i32, %arg1: i32, %arg2: memref<16384xi32, #tpu.memory_space<hbm>>, %arg3: memref<16384xi32, #tpu.memory_space<hbm>>, %arg4: memref<1000000x32xf32, #tpu.memory_space<hbm>>, %arg5: memref<100000x32xf32, #tpu.memory_space<hbm>>, %arg6: memref<1000000xf32, #tpu.memory_space<hbm>>, %arg7: memref<100000xf32, #tpu.memory_space<hbm>>, %arg8: memref<16xf32, #tpu.memory_space<hbm>>, %arg9: memref<16384xf32, #tpu.memory_space<hbm>>, %arg10: memref<512xi32, #tpu.memory_space<vmem>>, %arg11: memref<512xi32, #tpu.memory_space<vmem>>, %arg12: memref<512x32xf32, #tpu.memory_space<vmem>>, %arg13: memref<512x32xf32, #tpu.memory_space<vmem>>, %arg14: memref<512xf32, #tpu.memory_space<vmem>>, %arg15: memref<512xf32, #tpu.memory_space<vmem>>, %arg16: memref<16xf32, #tpu.memory_space<vmem>>, %arg17: memref<512xf32, #tpu.memory_space<vmem>>, %arg18: memref<!tpu.dma_semaphore, #tpu.memory_space<semaphore_mem>>, %arg19: memref<!tpu.dma_semaphore, #tpu.memory_space<semaphore_mem>>, %arg20: memref<!tpu.dma_semaphore, #tpu.memory_space<semaphore_mem>>, %arg21: memref<!tpu.dma_semaphore, #tpu.memory_space<semaphore_mem>>, %arg22: memref<!tpu.dma_semaphore, #tpu.memory_space<semaphore_mem>>, %arg23: memref<!tpu.dma_semaphore, #tpu.memory_space<semaphore_mem>>, %arg24: memref<!tpu.dma_semaphore, #tpu.memory_space<semaphore_mem>>, %arg25: memref<!tpu.dma_semaphore, #tpu.memory_space<semaphore_mem>>, %arg26: memref<!tpu.dma_semaphore, #tpu.memory_space<semaphore_mem>>, %arg27: memref<!tpu.dma_semaphore, #tpu.memory_space<semaphore_mem>>, %arg28: memref<!tpu.dma_semaphore, #tpu.memory_space<semaphore_mem>>, %arg29: memref<!tpu.dma_semaphore, #tpu.memory_space<semaphore_mem>>, %arg30: memref<!tpu.dma_semaphore, #tpu.memory_space<semaphore_mem>>, %arg31: memref<!tpu.dma_semaphore, #tpu.memory_space<semaphore_mem>>, %arg32: memref<!tpu.dma_semaphore, #tpu.memory_space<semaphore_mem>>, %arg33: memref<!tpu.dma_semaphore, #tpu.memory_space<semaphore_mem>>) attributes {dimension_semantics = [#tpu.dimension_semantics<core_parallel>, #tpu.dimension_semantics<subcore_parallel>], iteration_bounds = array<i64: 2, 16>, scalar_prefetch = 0 : i64, scratch_operands = 24 : i64, tpu.core_type = #tpu.core_type<sc_vector_subcore>, window_params = [{transform_indices = #map}, {transform_indices = #map}, {transform_indices = #map1}, {transform_indices = #map1}, {transform_indices = #map}, {transform_indices = #map}, {transform_indices = #map}, {transform_indices = #map}]} {
    %mul3A = arith.constant 2 : i32
    %mul3A_0 = arith.muli %arg1, %mul3A : i32
    %add3A = arith.addi %mul3A_0, %arg0 : i32
    %mul3A_1 = arith.constant 512 : i32
    %mul3A_2 = arith.muli %add3A, %mul3A_1 : i32
    "tpu.region"() ({
      %run_scoped3A = tpu.sem_alloc : memref<!tpu.dma_semaphore, #tpu.memory_space<semaphore_mem>>
      %dma_start3A_231 = tpu.memref_slice %arg2[%mul3A_2] : memref<16384xi32, #tpu.memory_space<hbm>> -> memref<512xi32, #tpu.memory_space<hbm>>
      %dma_start3A_232 = tpu.memref_slice %arg2[%mul3A_2] : memref<16384xi32, #tpu.memory_space<hbm>> -> memref<512xi32, #tpu.memory_space<hbm>>
      tpu.enqueue_dma source(%dma_start3A_232 : memref<512xi32, #tpu.memory_space<hbm>>) target(%arg10 : memref<512xi32, #tpu.memory_space<vmem>>) target_semaphore(%run_scoped3A : memref<!tpu.dma_semaphore, #tpu.memory_space<semaphore_mem>>)
      %dma_wait3A_233 = tpu.memref_slice %arg2[%mul3A_2] : memref<16384xi32, #tpu.memory_space<hbm>> -> memref<512xi32, #tpu.memory_space<hbm>>
      %dma_wait3A_234 = tpu.memref_slice %arg2[%mul3A_2] : memref<16384xi32, #tpu.memory_space<hbm>> -> memref<512xi32, #tpu.memory_space<hbm>>
      tpu.wait_dma2 semaphore(%run_scoped3A : memref<!tpu.dma_semaphore, #tpu.memory_space<semaphore_mem>>) src(%dma_wait3A_234 : memref<512xi32, #tpu.memory_space<hbm>>) dst(%arg10 : memref<512xi32, #tpu.memory_space<vmem>>)
      tpu.yield
    }) : () -> ()
    "tpu.region"() ({
      %run_scoped3A = tpu.sem_alloc : memref<!tpu.dma_semaphore, #tpu.memory_space<semaphore_mem>>
      %dma_start3A_231 = tpu.memref_slice %arg3[%mul3A_2] : memref<16384xi32, #tpu.memory_space<hbm>> -> memref<512xi32, #tpu.memory_space<hbm>>
      %dma_start3A_232 = tpu.memref_slice %arg3[%mul3A_2] : memref<16384xi32, #tpu.memory_space<hbm>> -> memref<512xi32, #tpu.memory_space<hbm>>
      tpu.enqueue_dma source(%dma_start3A_232 : memref<512xi32, #tpu.memory_space<hbm>>) target(%arg11 : memref<512xi32, #tpu.memory_space<vmem>>) target_semaphore(%run_scoped3A : memref<!tpu.dma_semaphore, #tpu.memory_space<semaphore_mem>>)
      %dma_wait3A_233 = tpu.memref_slice %arg3[%mul3A_2] : memref<16384xi32, #tpu.memory_space<hbm>> -> memref<512xi32, #tpu.memory_space<hbm>>
      %dma_wait3A_234 = tpu.memref_slice %arg3[%mul3A_2] : memref<16384xi32, #tpu.memory_space<hbm>> -> memref<512xi32, #tpu.memory_space<hbm>>
      tpu.wait_dma2 semaphore(%run_scoped3A : memref<!tpu.dma_semaphore, #tpu.memory_space<semaphore_mem>>) src(%dma_wait3A_234 : memref<512xi32, #tpu.memory_space<hbm>>) dst(%arg11 : memref<512xi32, #tpu.memory_space<vmem>>)
      tpu.yield
    }) : () -> ()
    %dma_start3A = arith.constant 0 : i32
    %dma_start3A_3 = arith.constant 0 : i32
    %dma_start3A_4 = tpu.memref_slice %arg12[%dma_start3A, %dma_start3A_3] : memref<512x32xf32, #tpu.memory_space<vmem>> -> memref<128x32xf32, #tpu.memory_space<vmem>>
    %dma_start3A_5 = arith.constant 0 : i32
    %dma_start3A_6 = tpu.memref_slice %arg10[%dma_start3A_5] : memref<512xi32, #tpu.memory_space<vmem>> -> memref<128xi32, #tpu.memory_space<vmem>>
    %dma_start3A_7 = arith.constant 0 : i32
    %dma_start3A_8 = arith.constant 0 : i32
    %dma_start3A_9 = tpu.memref_slice %arg4[%dma_start3A_7, %dma_start3A_8] : memref<1000000x32xf32, #tpu.memory_space<hbm>> -> memref<1000000x32xf32, #tpu.memory_space<hbm>>
    tpu.enqueue_indirect_dma source(%dma_start3A_9 : memref<1000000x32xf32, #tpu.memory_space<hbm>>) target(%dma_start3A_4 : memref<128x32xf32, #tpu.memory_space<vmem>>) offsets(%dma_start3A_6 : memref<128xi32, #tpu.memory_space<vmem>>) semaphore(%arg18 : memref<!tpu.dma_semaphore, #tpu.memory_space<semaphore_mem>>)
    %dma_start3A_10 = arith.constant 0 : i32
    %dma_start3A_11 = arith.constant 0 : i32
    %dma_start3A_12 = tpu.memref_slice %arg13[%dma_start3A_10, %dma_start3A_11] : memref<512x32xf32, #tpu.memory_space<vmem>> -> memref<128x32xf32, #tpu.memory_space<vmem>>
    %dma_start3A_13 = arith.constant 0 : i32
    %dma_start3A_14 = tpu.memref_slice %arg11[%dma_start3A_13] : memref<512xi32, #tpu.memory_space<vmem>> -> memref<128xi32, #tpu.memory_space<vmem>>
    %dma_start3A_15 = arith.constant 0 : i32
    %dma_start3A_16 = arith.constant 0 : i32
    %dma_start3A_17 = tpu.memref_slice %arg5[%dma_start3A_15, %dma_start3A_16] : memref<100000x32xf32, #tpu.memory_space<hbm>> -> memref<100000x32xf32, #tpu.memory_space<hbm>>
    tpu.enqueue_indirect_dma source(%dma_start3A_17 : memref<100000x32xf32, #tpu.memory_space<hbm>>) target(%dma_start3A_12 : memref<128x32xf32, #tpu.memory_space<vmem>>) offsets(%dma_start3A_14 : memref<128xi32, #tpu.memory_space<vmem>>) semaphore(%arg22 : memref<!tpu.dma_semaphore, #tpu.memory_space<semaphore_mem>>)
    %dma_start3A_18 = arith.constant 0 : i32
    %dma_start3A_19 = tpu.memref_slice %arg14[%dma_start3A_18] : memref<512xf32, #tpu.memory_space<vmem>> -> memref<128xf32, #tpu.memory_space<vmem>>
    %dma_start3A_20 = arith.constant 0 : i32
    %dma_start3A_21 = tpu.memref_slice %arg10[%dma_start3A_20] : memref<512xi32, #tpu.memory_space<vmem>> -> memref<128xi32, #tpu.memory_space<vmem>>
    %dma_start3A_22 = arith.constant 0 : i32
    %dma_start3A_23 = tpu.memref_slice %arg6[%dma_start3A_22] : memref<1000000xf32, #tpu.memory_space<hbm>> -> memref<1000000xf32, #tpu.memory_space<hbm>>
    tpu.enqueue_indirect_dma source(%dma_start3A_23 : memref<1000000xf32, #tpu.memory_space<hbm>>) target(%dma_start3A_19 : memref<128xf32, #tpu.memory_space<vmem>>) offsets(%dma_start3A_21 : memref<128xi32, #tpu.memory_space<vmem>>) semaphore(%arg26 : memref<!tpu.dma_semaphore, #tpu.memory_space<semaphore_mem>>)
    %dma_start3A_24 = arith.constant 0 : i32
    %dma_start3A_25 = tpu.memref_slice %arg15[%dma_start3A_24] : memref<512xf32, #tpu.memory_space<vmem>> -> memref<128xf32, #tpu.memory_space<vmem>>
    %dma_start3A_26 = arith.constant 0 : i32
    %dma_start3A_27 = tpu.memref_slice %arg11[%dma_start3A_26] : memref<512xi32, #tpu.memory_space<vmem>> -> memref<128xi32, #tpu.memory_space<vmem>>
    %dma_start3A_28 = arith.constant 0 : i32
    %dma_start3A_29 = tpu.memref_slice %arg7[%dma_start3A_28] : memref<100000xf32, #tpu.memory_space<hbm>> -> memref<100000xf32, #tpu.memory_space<hbm>>
    tpu.enqueue_indirect_dma source(%dma_start3A_29 : memref<100000xf32, #tpu.memory_space<hbm>>) target(%dma_start3A_25 : memref<128xf32, #tpu.memory_space<vmem>>) offsets(%dma_start3A_27 : memref<128xi32, #tpu.memory_space<vmem>>) semaphore(%arg30 : memref<!tpu.dma_semaphore, #tpu.memory_space<semaphore_mem>>)
    %dma_start3A_30 = arith.constant 128 : i32
    %dma_start3A_31 = arith.constant 0 : i32
    %dma_start3A_32 = tpu.memref_slice %arg12[%dma_start3A_30, %dma_start3A_31] : memref<512x32xf32, #tpu.memory_space<vmem>> -> memref<128x32xf32, #tpu.memory_space<vmem>>
    %dma_start3A_33 = arith.constant 128 : i32
    %dma_start3A_34 = tpu.memref_slice %arg10[%dma_start3A_33] : memref<512xi32, #tpu.memory_space<vmem>> -> memref<128xi32, #tpu.memory_space<vmem>>
    %dma_start3A_35 = arith.constant 0 : i32
    %dma_start3A_36 = arith.constant 0 : i32
    %dma_start3A_37 = tpu.memref_slice %arg4[%dma_start3A_35, %dma_start3A_36] : memref<1000000x32xf32, #tpu.memory_space<hbm>> -> memref<1000000x32xf32, #tpu.memory_space<hbm>>
    tpu.enqueue_indirect_dma source(%dma_start3A_37 : memref<1000000x32xf32, #tpu.memory_space<hbm>>) target(%dma_start3A_32 : memref<128x32xf32, #tpu.memory_space<vmem>>) offsets(%dma_start3A_34 : memref<128xi32, #tpu.memory_space<vmem>>) semaphore(%arg19 : memref<!tpu.dma_semaphore, #tpu.memory_space<semaphore_mem>>)
    %dma_start3A_38 = arith.constant 128 : i32
    %dma_start3A_39 = arith.constant 0 : i32
    %dma_start3A_40 = tpu.memref_slice %arg13[%dma_start3A_38, %dma_start3A_39] : memref<512x32xf32, #tpu.memory_space<vmem>> -> memref<128x32xf32, #tpu.memory_space<vmem>>
    %dma_start3A_41 = arith.constant 128 : i32
    %dma_start3A_42 = tpu.memref_slice %arg11[%dma_start3A_41] : memref<512xi32, #tpu.memory_space<vmem>> -> memref<128xi32, #tpu.memory_space<vmem>>
    %dma_start3A_43 = arith.constant 0 : i32
    %dma_start3A_44 = arith.constant 0 : i32
    %dma_start3A_45 = tpu.memref_slice %arg5[%dma_start3A_43, %dma_start3A_44] : memref<100000x32xf32, #tpu.memory_space<hbm>> -> memref<100000x32xf32, #tpu.memory_space<hbm>>
    tpu.enqueue_indirect_dma source(%dma_start3A_45 : memref<100000x32xf32, #tpu.memory_space<hbm>>) target(%dma_start3A_40 : memref<128x32xf32, #tpu.memory_space<vmem>>) offsets(%dma_start3A_42 : memref<128xi32, #tpu.memory_space<vmem>>) semaphore(%arg23 : memref<!tpu.dma_semaphore, #tpu.memory_space<semaphore_mem>>)
    %dma_start3A_46 = arith.constant 128 : i32
    %dma_start3A_47 = tpu.memref_slice %arg14[%dma_start3A_46] : memref<512xf32, #tpu.memory_space<vmem>> -> memref<128xf32, #tpu.memory_space<vmem>>
    %dma_start3A_48 = arith.constant 128 : i32
    %dma_start3A_49 = tpu.memref_slice %arg10[%dma_start3A_48] : memref<512xi32, #tpu.memory_space<vmem>> -> memref<128xi32, #tpu.memory_space<vmem>>
    %dma_start3A_50 = arith.constant 0 : i32
    %dma_start3A_51 = tpu.memref_slice %arg6[%dma_start3A_50] : memref<1000000xf32, #tpu.memory_space<hbm>> -> memref<1000000xf32, #tpu.memory_space<hbm>>
    tpu.enqueue_indirect_dma source(%dma_start3A_51 : memref<1000000xf32, #tpu.memory_space<hbm>>) target(%dma_start3A_47 : memref<128xf32, #tpu.memory_space<vmem>>) offsets(%dma_start3A_49 : memref<128xi32, #tpu.memory_space<vmem>>) semaphore(%arg27 : memref<!tpu.dma_semaphore, #tpu.memory_space<semaphore_mem>>)
    %dma_start3A_52 = arith.constant 128 : i32
    %dma_start3A_53 = tpu.memref_slice %arg15[%dma_start3A_52] : memref<512xf32, #tpu.memory_space<vmem>> -> memref<128xf32, #tpu.memory_space<vmem>>
    %dma_start3A_54 = arith.constant 128 : i32
    %dma_start3A_55 = tpu.memref_slice %arg11[%dma_start3A_54] : memref<512xi32, #tpu.memory_space<vmem>> -> memref<128xi32, #tpu.memory_space<vmem>>
    %dma_start3A_56 = arith.constant 0 : i32
    %dma_start3A_57 = tpu.memref_slice %arg7[%dma_start3A_56] : memref<100000xf32, #tpu.memory_space<hbm>> -> memref<100000xf32, #tpu.memory_space<hbm>>
    tpu.enqueue_indirect_dma source(%dma_start3A_57 : memref<100000xf32, #tpu.memory_space<hbm>>) target(%dma_start3A_53 : memref<128xf32, #tpu.memory_space<vmem>>) offsets(%dma_start3A_55 : memref<128xi32, #tpu.memory_space<vmem>>) semaphore(%arg31 : memref<!tpu.dma_semaphore, #tpu.memory_space<semaphore_mem>>)
    %dma_start3A_58 = arith.constant 256 : i32
    %dma_start3A_59 = arith.constant 0 : i32
    %dma_start3A_60 = tpu.memref_slice %arg12[%dma_start3A_58, %dma_start3A_59] : memref<512x32xf32, #tpu.memory_space<vmem>> -> memref<128x32xf32, #tpu.memory_space<vmem>>
    %dma_start3A_61 = arith.constant 256 : i32
    %dma_start3A_62 = tpu.memref_slice %arg10[%dma_start3A_61] : memref<512xi32, #tpu.memory_space<vmem>> -> memref<128xi32, #tpu.memory_space<vmem>>
    %dma_start3A_63 = arith.constant 0 : i32
    %dma_start3A_64 = arith.constant 0 : i32
    %dma_start3A_65 = tpu.memref_slice %arg4[%dma_start3A_63, %dma_start3A_64] : memref<1000000x32xf32, #tpu.memory_space<hbm>> -> memref<1000000x32xf32, #tpu.memory_space<hbm>>
    tpu.enqueue_indirect_dma source(%dma_start3A_65 : memref<1000000x32xf32, #tpu.memory_space<hbm>>) target(%dma_start3A_60 : memref<128x32xf32, #tpu.memory_space<vmem>>) offsets(%dma_start3A_62 : memref<128xi32, #tpu.memory_space<vmem>>) semaphore(%arg20 : memref<!tpu.dma_semaphore, #tpu.memory_space<semaphore_mem>>)
    %dma_start3A_66 = arith.constant 256 : i32
    %dma_start3A_67 = arith.constant 0 : i32
    %dma_start3A_68 = tpu.memref_slice %arg13[%dma_start3A_66, %dma_start3A_67] : memref<512x32xf32, #tpu.memory_space<vmem>> -> memref<128x32xf32, #tpu.memory_space<vmem>>
    %dma_start3A_69 = arith.constant 256 : i32
    %dma_start3A_70 = tpu.memref_slice %arg11[%dma_start3A_69] : memref<512xi32, #tpu.memory_space<vmem>> -> memref<128xi32, #tpu.memory_space<vmem>>
    %dma_start3A_71 = arith.constant 0 : i32
    %dma_start3A_72 = arith.constant 0 : i32
    %dma_start3A_73 = tpu.memref_slice %arg5[%dma_start3A_71, %dma_start3A_72] : memref<100000x32xf32, #tpu.memory_space<hbm>> -> memref<100000x32xf32, #tpu.memory_space<hbm>>
    tpu.enqueue_indirect_dma source(%dma_start3A_73 : memref<100000x32xf32, #tpu.memory_space<hbm>>) target(%dma_start3A_68 : memref<128x32xf32, #tpu.memory_space<vmem>>) offsets(%dma_start3A_70 : memref<128xi32, #tpu.memory_space<vmem>>) semaphore(%arg24 : memref<!tpu.dma_semaphore, #tpu.memory_space<semaphore_mem>>)
    %dma_start3A_74 = arith.constant 256 : i32
    %dma_start3A_75 = tpu.memref_slice %arg14[%dma_start3A_74] : memref<512xf32, #tpu.memory_space<vmem>> -> memref<128xf32, #tpu.memory_space<vmem>>
    %dma_start3A_76 = arith.constant 256 : i32
    %dma_start3A_77 = tpu.memref_slice %arg10[%dma_start3A_76] : memref<512xi32, #tpu.memory_space<vmem>> -> memref<128xi32, #tpu.memory_space<vmem>>
    %dma_start3A_78 = arith.constant 0 : i32
    %dma_start3A_79 = tpu.memref_slice %arg6[%dma_start3A_78] : memref<1000000xf32, #tpu.memory_space<hbm>> -> memref<1000000xf32, #tpu.memory_space<hbm>>
    tpu.enqueue_indirect_dma source(%dma_start3A_79 : memref<1000000xf32, #tpu.memory_space<hbm>>) target(%dma_start3A_75 : memref<128xf32, #tpu.memory_space<vmem>>) offsets(%dma_start3A_77 : memref<128xi32, #tpu.memory_space<vmem>>) semaphore(%arg28 : memref<!tpu.dma_semaphore, #tpu.memory_space<semaphore_mem>>)
    %dma_start3A_80 = arith.constant 256 : i32
    %dma_start3A_81 = tpu.memref_slice %arg15[%dma_start3A_80] : memref<512xf32, #tpu.memory_space<vmem>> -> memref<128xf32, #tpu.memory_space<vmem>>
    %dma_start3A_82 = arith.constant 256 : i32
    %dma_start3A_83 = tpu.memref_slice %arg11[%dma_start3A_82] : memref<512xi32, #tpu.memory_space<vmem>> -> memref<128xi32, #tpu.memory_space<vmem>>
    %dma_start3A_84 = arith.constant 0 : i32
    %dma_start3A_85 = tpu.memref_slice %arg7[%dma_start3A_84] : memref<100000xf32, #tpu.memory_space<hbm>> -> memref<100000xf32, #tpu.memory_space<hbm>>
    tpu.enqueue_indirect_dma source(%dma_start3A_85 : memref<100000xf32, #tpu.memory_space<hbm>>) target(%dma_start3A_81 : memref<128xf32, #tpu.memory_space<vmem>>) offsets(%dma_start3A_83 : memref<128xi32, #tpu.memory_space<vmem>>) semaphore(%arg32 : memref<!tpu.dma_semaphore, #tpu.memory_space<semaphore_mem>>)
    %dma_start3A_86 = arith.constant 384 : i32
    %dma_start3A_87 = arith.constant 0 : i32
    %dma_start3A_88 = tpu.memref_slice %arg12[%dma_start3A_86, %dma_start3A_87] : memref<512x32xf32, #tpu.memory_space<vmem>> -> memref<128x32xf32, #tpu.memory_space<vmem>>
    %dma_start3A_89 = arith.constant 384 : i32
    %dma_start3A_90 = tpu.memref_slice %arg10[%dma_start3A_89] : memref<512xi32, #tpu.memory_space<vmem>> -> memref<128xi32, #tpu.memory_space<vmem>>
    %dma_start3A_91 = arith.constant 0 : i32
    %dma_start3A_92 = arith.constant 0 : i32
    %dma_start3A_93 = tpu.memref_slice %arg4[%dma_start3A_91, %dma_start3A_92] : memref<1000000x32xf32, #tpu.memory_space<hbm>> -> memref<1000000x32xf32, #tpu.memory_space<hbm>>
    tpu.enqueue_indirect_dma source(%dma_start3A_93 : memref<1000000x32xf32, #tpu.memory_space<hbm>>) target(%dma_start3A_88 : memref<128x32xf32, #tpu.memory_space<vmem>>) offsets(%dma_start3A_90 : memref<128xi32, #tpu.memory_space<vmem>>) semaphore(%arg21 : memref<!tpu.dma_semaphore, #tpu.memory_space<semaphore_mem>>)
    %dma_start3A_94 = arith.constant 384 : i32
    %dma_start3A_95 = arith.constant 0 : i32
    %dma_start3A_96 = tpu.memref_slice %arg13[%dma_start3A_94, %dma_start3A_95] : memref<512x32xf32, #tpu.memory_space<vmem>> -> memref<128x32xf32, #tpu.memory_space<vmem>>
    %dma_start3A_97 = arith.constant 384 : i32
    %dma_start3A_98 = tpu.memref_slice %arg11[%dma_start3A_97] : memref<512xi32, #tpu.memory_space<vmem>> -> memref<128xi32, #tpu.memory_space<vmem>>
    %dma_start3A_99 = arith.constant 0 : i32
    %dma_start3A_100 = arith.constant 0 : i32
    %dma_start3A_101 = tpu.memref_slice %arg5[%dma_start3A_99, %dma_start3A_100] : memref<100000x32xf32, #tpu.memory_space<hbm>> -> memref<100000x32xf32, #tpu.memory_space<hbm>>
    tpu.enqueue_indirect_dma source(%dma_start3A_101 : memref<100000x32xf32, #tpu.memory_space<hbm>>) target(%dma_start3A_96 : memref<128x32xf32, #tpu.memory_space<vmem>>) offsets(%dma_start3A_98 : memref<128xi32, #tpu.memory_space<vmem>>) semaphore(%arg25 : memref<!tpu.dma_semaphore, #tpu.memory_space<semaphore_mem>>)
    %dma_start3A_102 = arith.constant 384 : i32
    %dma_start3A_103 = tpu.memref_slice %arg14[%dma_start3A_102] : memref<512xf32, #tpu.memory_space<vmem>> -> memref<128xf32, #tpu.memory_space<vmem>>
    %dma_start3A_104 = arith.constant 384 : i32
    %dma_start3A_105 = tpu.memref_slice %arg10[%dma_start3A_104] : memref<512xi32, #tpu.memory_space<vmem>> -> memref<128xi32, #tpu.memory_space<vmem>>
    %dma_start3A_106 = arith.constant 0 : i32
    %dma_start3A_107 = tpu.memref_slice %arg6[%dma_start3A_106] : memref<1000000xf32, #tpu.memory_space<hbm>> -> memref<1000000xf32, #tpu.memory_space<hbm>>
    tpu.enqueue_indirect_dma source(%dma_start3A_107 : memref<1000000xf32, #tpu.memory_space<hbm>>) target(%dma_start3A_103 : memref<128xf32, #tpu.memory_space<vmem>>) offsets(%dma_start3A_105 : memref<128xi32, #tpu.memory_space<vmem>>) semaphore(%arg29 : memref<!tpu.dma_semaphore, #tpu.memory_space<semaphore_mem>>)
    %dma_start3A_108 = arith.constant 384 : i32
    %dma_start3A_109 = tpu.memref_slice %arg15[%dma_start3A_108] : memref<512xf32, #tpu.memory_space<vmem>> -> memref<128xf32, #tpu.memory_space<vmem>>
    %dma_start3A_110 = arith.constant 384 : i32
    %dma_start3A_111 = tpu.memref_slice %arg11[%dma_start3A_110] : memref<512xi32, #tpu.memory_space<vmem>> -> memref<128xi32, #tpu.memory_space<vmem>>
    %dma_start3A_112 = arith.constant 0 : i32
    %dma_start3A_113 = tpu.memref_slice %arg7[%dma_start3A_112] : memref<100000xf32, #tpu.memory_space<hbm>> -> memref<100000xf32, #tpu.memory_space<hbm>>
    tpu.enqueue_indirect_dma source(%dma_start3A_113 : memref<100000xf32, #tpu.memory_space<hbm>>) target(%dma_start3A_109 : memref<128xf32, #tpu.memory_space<vmem>>) offsets(%dma_start3A_111 : memref<128xi32, #tpu.memory_space<vmem>>) semaphore(%arg33 : memref<!tpu.dma_semaphore, #tpu.memory_space<semaphore_mem>>)
    "tpu.region"() ({
      %run_scoped3A = tpu.sem_alloc : memref<!tpu.dma_semaphore, #tpu.memory_space<semaphore_mem>>
      tpu.enqueue_dma source(%arg8 : memref<16xf32, #tpu.memory_space<hbm>>) target(%arg16 : memref<16xf32, #tpu.memory_space<vmem>>) target_semaphore(%run_scoped3A : memref<!tpu.dma_semaphore, #tpu.memory_space<semaphore_mem>>)
      tpu.wait_dma2 semaphore(%run_scoped3A : memref<!tpu.dma_semaphore, #tpu.memory_space<semaphore_mem>>) src(%arg8 : memref<16xf32, #tpu.memory_space<hbm>>) dst(%arg16 : memref<16xf32, #tpu.memory_space<vmem>>)
      tpu.yield
    }) : () -> ()
    %dma_wait3A = arith.constant 0 : i32
    %dma_wait3A_114 = arith.constant 0 : i32
    %dma_wait3A_115 = tpu.memref_slice %arg12[%dma_wait3A, %dma_wait3A_114] : memref<512x32xf32, #tpu.memory_space<vmem>> -> memref<128x32xf32, #tpu.memory_space<vmem>>
    %dma_wait3A_116 = arith.constant 0 : i32
    %dma_wait3A_117 = tpu.memref_slice %arg10[%dma_wait3A_116] : memref<512xi32, #tpu.memory_space<vmem>> -> memref<128xi32, #tpu.memory_space<vmem>>
    %dma_wait3A_118 = arith.constant 0 : i32
    %dma_wait3A_119 = arith.constant 0 : i32
    %dma_wait3A_120 = tpu.memref_slice %arg4[%dma_wait3A_118, %dma_wait3A_119] : memref<1000000x32xf32, #tpu.memory_space<hbm>> -> memref<1000000x32xf32, #tpu.memory_space<hbm>>
    tpu.wait_indirect_dma semaphore(%arg18 : memref<!tpu.dma_semaphore, #tpu.memory_space<semaphore_mem>>) src(%dma_wait3A_120 : memref<1000000x32xf32, #tpu.memory_space<hbm>>) dst(%dma_wait3A_115 : memref<128x32xf32, #tpu.memory_space<vmem>>)
    %dma_wait3A_121 = arith.constant 0 : i32
    %dma_wait3A_122 = arith.constant 0 : i32
    %dma_wait3A_123 = tpu.memref_slice %arg13[%dma_wait3A_121, %dma_wait3A_122] : memref<512x32xf32, #tpu.memory_space<vmem>> -> memref<128x32xf32, #tpu.memory_space<vmem>>
    %dma_wait3A_124 = arith.constant 0 : i32
    %dma_wait3A_125 = tpu.memref_slice %arg11[%dma_wait3A_124] : memref<512xi32, #tpu.memory_space<vmem>> -> memref<128xi32, #tpu.memory_space<vmem>>
    %dma_wait3A_126 = arith.constant 0 : i32
    %dma_wait3A_127 = arith.constant 0 : i32
    %dma_wait3A_128 = tpu.memref_slice %arg5[%dma_wait3A_126, %dma_wait3A_127] : memref<100000x32xf32, #tpu.memory_space<hbm>> -> memref<100000x32xf32, #tpu.memory_space<hbm>>
    tpu.wait_indirect_dma semaphore(%arg22 : memref<!tpu.dma_semaphore, #tpu.memory_space<semaphore_mem>>) src(%dma_wait3A_128 : memref<100000x32xf32, #tpu.memory_space<hbm>>) dst(%dma_wait3A_123 : memref<128x32xf32, #tpu.memory_space<vmem>>)
    %dma_wait3A_129 = arith.constant 0 : i32
    %dma_wait3A_130 = tpu.memref_slice %arg14[%dma_wait3A_129] : memref<512xf32, #tpu.memory_space<vmem>> -> memref<128xf32, #tpu.memory_space<vmem>>
    %dma_wait3A_131 = arith.constant 0 : i32
    %dma_wait3A_132 = tpu.memref_slice %arg10[%dma_wait3A_131] : memref<512xi32, #tpu.memory_space<vmem>> -> memref<128xi32, #tpu.memory_space<vmem>>
    %dma_wait3A_133 = arith.constant 0 : i32
    %dma_wait3A_134 = tpu.memref_slice %arg6[%dma_wait3A_133] : memref<1000000xf32, #tpu.memory_space<hbm>> -> memref<1000000xf32, #tpu.memory_space<hbm>>
    tpu.wait_indirect_dma semaphore(%arg26 : memref<!tpu.dma_semaphore, #tpu.memory_space<semaphore_mem>>) src(%dma_wait3A_134 : memref<1000000xf32, #tpu.memory_space<hbm>>) dst(%dma_wait3A_130 : memref<128xf32, #tpu.memory_space<vmem>>)
    %dma_wait3A_135 = arith.constant 0 : i32
    %dma_wait3A_136 = tpu.memref_slice %arg15[%dma_wait3A_135] : memref<512xf32, #tpu.memory_space<vmem>> -> memref<128xf32, #tpu.memory_space<vmem>>
    %dma_wait3A_137 = arith.constant 0 : i32
    %dma_wait3A_138 = tpu.memref_slice %arg11[%dma_wait3A_137] : memref<512xi32, #tpu.memory_space<vmem>> -> memref<128xi32, #tpu.memory_space<vmem>>
    %dma_wait3A_139 = arith.constant 0 : i32
    %dma_wait3A_140 = tpu.memref_slice %arg7[%dma_wait3A_139] : memref<100000xf32, #tpu.memory_space<hbm>> -> memref<100000xf32, #tpu.memory_space<hbm>>
    tpu.wait_indirect_dma semaphore(%arg30 : memref<!tpu.dma_semaphore, #tpu.memory_space<semaphore_mem>>) src(%dma_wait3A_140 : memref<100000xf32, #tpu.memory_space<hbm>>) dst(%dma_wait3A_136 : memref<128xf32, #tpu.memory_space<vmem>>)
    %dma_wait3A_141 = arith.constant 128 : i32
    %dma_wait3A_142 = arith.constant 0 : i32
    %dma_wait3A_143 = tpu.memref_slice %arg12[%dma_wait3A_141, %dma_wait3A_142] : memref<512x32xf32, #tpu.memory_space<vmem>> -> memref<128x32xf32, #tpu.memory_space<vmem>>
    %dma_wait3A_144 = arith.constant 128 : i32
    %dma_wait3A_145 = tpu.memref_slice %arg10[%dma_wait3A_144] : memref<512xi32, #tpu.memory_space<vmem>> -> memref<128xi32, #tpu.memory_space<vmem>>
    %dma_wait3A_146 = arith.constant 0 : i32
    %dma_wait3A_147 = arith.constant 0 : i32
    %dma_wait3A_148 = tpu.memref_slice %arg4[%dma_wait3A_146, %dma_wait3A_147] : memref<1000000x32xf32, #tpu.memory_space<hbm>> -> memref<1000000x32xf32, #tpu.memory_space<hbm>>
    tpu.wait_indirect_dma semaphore(%arg19 : memref<!tpu.dma_semaphore, #tpu.memory_space<semaphore_mem>>) src(%dma_wait3A_148 : memref<1000000x32xf32, #tpu.memory_space<hbm>>) dst(%dma_wait3A_143 : memref<128x32xf32, #tpu.memory_space<vmem>>)
    %dma_wait3A_149 = arith.constant 128 : i32
    %dma_wait3A_150 = arith.constant 0 : i32
    %dma_wait3A_151 = tpu.memref_slice %arg13[%dma_wait3A_149, %dma_wait3A_150] : memref<512x32xf32, #tpu.memory_space<vmem>> -> memref<128x32xf32, #tpu.memory_space<vmem>>
    %dma_wait3A_152 = arith.constant 128 : i32
    %dma_wait3A_153 = tpu.memref_slice %arg11[%dma_wait3A_152] : memref<512xi32, #tpu.memory_space<vmem>> -> memref<128xi32, #tpu.memory_space<vmem>>
    %dma_wait3A_154 = arith.constant 0 : i32
    %dma_wait3A_155 = arith.constant 0 : i32
    %dma_wait3A_156 = tpu.memref_slice %arg5[%dma_wait3A_154, %dma_wait3A_155] : memref<100000x32xf32, #tpu.memory_space<hbm>> -> memref<100000x32xf32, #tpu.memory_space<hbm>>
    tpu.wait_indirect_dma semaphore(%arg23 : memref<!tpu.dma_semaphore, #tpu.memory_space<semaphore_mem>>) src(%dma_wait3A_156 : memref<100000x32xf32, #tpu.memory_space<hbm>>) dst(%dma_wait3A_151 : memref<128x32xf32, #tpu.memory_space<vmem>>)
    %dma_wait3A_157 = arith.constant 128 : i32
    %dma_wait3A_158 = tpu.memref_slice %arg14[%dma_wait3A_157] : memref<512xf32, #tpu.memory_space<vmem>> -> memref<128xf32, #tpu.memory_space<vmem>>
    %dma_wait3A_159 = arith.constant 128 : i32
    %dma_wait3A_160 = tpu.memref_slice %arg10[%dma_wait3A_159] : memref<512xi32, #tpu.memory_space<vmem>> -> memref<128xi32, #tpu.memory_space<vmem>>
    %dma_wait3A_161 = arith.constant 0 : i32
    %dma_wait3A_162 = tpu.memref_slice %arg6[%dma_wait3A_161] : memref<1000000xf32, #tpu.memory_space<hbm>> -> memref<1000000xf32, #tpu.memory_space<hbm>>
    tpu.wait_indirect_dma semaphore(%arg27 : memref<!tpu.dma_semaphore, #tpu.memory_space<semaphore_mem>>) src(%dma_wait3A_162 : memref<1000000xf32, #tpu.memory_space<hbm>>) dst(%dma_wait3A_158 : memref<128xf32, #tpu.memory_space<vmem>>)
    %dma_wait3A_163 = arith.constant 128 : i32
    %dma_wait3A_164 = tpu.memref_slice %arg15[%dma_wait3A_163] : memref<512xf32, #tpu.memory_space<vmem>> -> memref<128xf32, #tpu.memory_space<vmem>>
    %dma_wait3A_165 = arith.constant 128 : i32
    %dma_wait3A_166 = tpu.memref_slice %arg11[%dma_wait3A_165] : memref<512xi32, #tpu.memory_space<vmem>> -> memref<128xi32, #tpu.memory_space<vmem>>
    %dma_wait3A_167 = arith.constant 0 : i32
    %dma_wait3A_168 = tpu.memref_slice %arg7[%dma_wait3A_167] : memref<100000xf32, #tpu.memory_space<hbm>> -> memref<100000xf32, #tpu.memory_space<hbm>>
    tpu.wait_indirect_dma semaphore(%arg31 : memref<!tpu.dma_semaphore, #tpu.memory_space<semaphore_mem>>) src(%dma_wait3A_168 : memref<100000xf32, #tpu.memory_space<hbm>>) dst(%dma_wait3A_164 : memref<128xf32, #tpu.memory_space<vmem>>)
    %dma_wait3A_169 = arith.constant 256 : i32
    %dma_wait3A_170 = arith.constant 0 : i32
    %dma_wait3A_171 = tpu.memref_slice %arg12[%dma_wait3A_169, %dma_wait3A_170] : memref<512x32xf32, #tpu.memory_space<vmem>> -> memref<128x32xf32, #tpu.memory_space<vmem>>
    %dma_wait3A_172 = arith.constant 256 : i32
    %dma_wait3A_173 = tpu.memref_slice %arg10[%dma_wait3A_172] : memref<512xi32, #tpu.memory_space<vmem>> -> memref<128xi32, #tpu.memory_space<vmem>>
    %dma_wait3A_174 = arith.constant 0 : i32
    %dma_wait3A_175 = arith.constant 0 : i32
    %dma_wait3A_176 = tpu.memref_slice %arg4[%dma_wait3A_174, %dma_wait3A_175] : memref<1000000x32xf32, #tpu.memory_space<hbm>> -> memref<1000000x32xf32, #tpu.memory_space<hbm>>
    tpu.wait_indirect_dma semaphore(%arg20 : memref<!tpu.dma_semaphore, #tpu.memory_space<semaphore_mem>>) src(%dma_wait3A_176 : memref<1000000x32xf32, #tpu.memory_space<hbm>>) dst(%dma_wait3A_171 : memref<128x32xf32, #tpu.memory_space<vmem>>)
    %dma_wait3A_177 = arith.constant 256 : i32
    %dma_wait3A_178 = arith.constant 0 : i32
    %dma_wait3A_179 = tpu.memref_slice %arg13[%dma_wait3A_177, %dma_wait3A_178] : memref<512x32xf32, #tpu.memory_space<vmem>> -> memref<128x32xf32, #tpu.memory_space<vmem>>
    %dma_wait3A_180 = arith.constant 256 : i32
    %dma_wait3A_181 = tpu.memref_slice %arg11[%dma_wait3A_180] : memref<512xi32, #tpu.memory_space<vmem>> -> memref<128xi32, #tpu.memory_space<vmem>>
    %dma_wait3A_182 = arith.constant 0 : i32
    %dma_wait3A_183 = arith.constant 0 : i32
    %dma_wait3A_184 = tpu.memref_slice %arg5[%dma_wait3A_182, %dma_wait3A_183] : memref<100000x32xf32, #tpu.memory_space<hbm>> -> memref<100000x32xf32, #tpu.memory_space<hbm>>
    tpu.wait_indirect_dma semaphore(%arg24 : memref<!tpu.dma_semaphore, #tpu.memory_space<semaphore_mem>>) src(%dma_wait3A_184 : memref<100000x32xf32, #tpu.memory_space<hbm>>) dst(%dma_wait3A_179 : memref<128x32xf32, #tpu.memory_space<vmem>>)
    %dma_wait3A_185 = arith.constant 256 : i32
    %dma_wait3A_186 = tpu.memref_slice %arg14[%dma_wait3A_185] : memref<512xf32, #tpu.memory_space<vmem>> -> memref<128xf32, #tpu.memory_space<vmem>>
    %dma_wait3A_187 = arith.constant 256 : i32
    %dma_wait3A_188 = tpu.memref_slice %arg10[%dma_wait3A_187] : memref<512xi32, #tpu.memory_space<vmem>> -> memref<128xi32, #tpu.memory_space<vmem>>
    %dma_wait3A_189 = arith.constant 0 : i32
    %dma_wait3A_190 = tpu.memref_slice %arg6[%dma_wait3A_189] : memref<1000000xf32, #tpu.memory_space<hbm>> -> memref<1000000xf32, #tpu.memory_space<hbm>>
    tpu.wait_indirect_dma semaphore(%arg28 : memref<!tpu.dma_semaphore, #tpu.memory_space<semaphore_mem>>) src(%dma_wait3A_190 : memref<1000000xf32, #tpu.memory_space<hbm>>) dst(%dma_wait3A_186 : memref<128xf32, #tpu.memory_space<vmem>>)
    %dma_wait3A_191 = arith.constant 256 : i32
    %dma_wait3A_192 = tpu.memref_slice %arg15[%dma_wait3A_191] : memref<512xf32, #tpu.memory_space<vmem>> -> memref<128xf32, #tpu.memory_space<vmem>>
    %dma_wait3A_193 = arith.constant 256 : i32
    %dma_wait3A_194 = tpu.memref_slice %arg11[%dma_wait3A_193] : memref<512xi32, #tpu.memory_space<vmem>> -> memref<128xi32, #tpu.memory_space<vmem>>
    %dma_wait3A_195 = arith.constant 0 : i32
    %dma_wait3A_196 = tpu.memref_slice %arg7[%dma_wait3A_195] : memref<100000xf32, #tpu.memory_space<hbm>> -> memref<100000xf32, #tpu.memory_space<hbm>>
    tpu.wait_indirect_dma semaphore(%arg32 : memref<!tpu.dma_semaphore, #tpu.memory_space<semaphore_mem>>) src(%dma_wait3A_196 : memref<100000xf32, #tpu.memory_space<hbm>>) dst(%dma_wait3A_192 : memref<128xf32, #tpu.memory_space<vmem>>)
    %dma_wait3A_197 = arith.constant 384 : i32
    %dma_wait3A_198 = arith.constant 0 : i32
    %dma_wait3A_199 = tpu.memref_slice %arg12[%dma_wait3A_197, %dma_wait3A_198] : memref<512x32xf32, #tpu.memory_space<vmem>> -> memref<128x32xf32, #tpu.memory_space<vmem>>
    %dma_wait3A_200 = arith.constant 384 : i32
    %dma_wait3A_201 = tpu.memref_slice %arg10[%dma_wait3A_200] : memref<512xi32, #tpu.memory_space<vmem>> -> memref<128xi32, #tpu.memory_space<vmem>>
    %dma_wait3A_202 = arith.constant 0 : i32
    %dma_wait3A_203 = arith.constant 0 : i32
    %dma_wait3A_204 = tpu.memref_slice %arg4[%dma_wait3A_202, %dma_wait3A_203] : memref<1000000x32xf32, #tpu.memory_space<hbm>> -> memref<1000000x32xf32, #tpu.memory_space<hbm>>
    tpu.wait_indirect_dma semaphore(%arg21 : memref<!tpu.dma_semaphore, #tpu.memory_space<semaphore_mem>>) src(%dma_wait3A_204 : memref<1000000x32xf32, #tpu.memory_space<hbm>>) dst(%dma_wait3A_199 : memref<128x32xf32, #tpu.memory_space<vmem>>)
    %dma_wait3A_205 = arith.constant 384 : i32
    %dma_wait3A_206 = arith.constant 0 : i32
    %dma_wait3A_207 = tpu.memref_slice %arg13[%dma_wait3A_205, %dma_wait3A_206] : memref<512x32xf32, #tpu.memory_space<vmem>> -> memref<128x32xf32, #tpu.memory_space<vmem>>
    %dma_wait3A_208 = arith.constant 384 : i32
    %dma_wait3A_209 = tpu.memref_slice %arg11[%dma_wait3A_208] : memref<512xi32, #tpu.memory_space<vmem>> -> memref<128xi32, #tpu.memory_space<vmem>>
    %dma_wait3A_210 = arith.constant 0 : i32
    %dma_wait3A_211 = arith.constant 0 : i32
    %dma_wait3A_212 = tpu.memref_slice %arg5[%dma_wait3A_210, %dma_wait3A_211] : memref<100000x32xf32, #tpu.memory_space<hbm>> -> memref<100000x32xf32, #tpu.memory_space<hbm>>
    tpu.wait_indirect_dma semaphore(%arg25 : memref<!tpu.dma_semaphore, #tpu.memory_space<semaphore_mem>>) src(%dma_wait3A_212 : memref<100000x32xf32, #tpu.memory_space<hbm>>) dst(%dma_wait3A_207 : memref<128x32xf32, #tpu.memory_space<vmem>>)
    %dma_wait3A_213 = arith.constant 384 : i32
    %dma_wait3A_214 = tpu.memref_slice %arg14[%dma_wait3A_213] : memref<512xf32, #tpu.memory_space<vmem>> -> memref<128xf32, #tpu.memory_space<vmem>>
    %dma_wait3A_215 = arith.constant 384 : i32
    %dma_wait3A_216 = tpu.memref_slice %arg10[%dma_wait3A_215] : memref<512xi32, #tpu.memory_space<vmem>> -> memref<128xi32, #tpu.memory_space<vmem>>
    %dma_wait3A_217 = arith.constant 0 : i32
    %dma_wait3A_218 = tpu.memref_slice %arg6[%dma_wait3A_217] : memref<1000000xf32, #tpu.memory_space<hbm>> -> memref<1000000xf32, #tpu.memory_space<hbm>>
    tpu.wait_indirect_dma semaphore(%arg29 : memref<!tpu.dma_semaphore, #tpu.memory_space<semaphore_mem>>) src(%dma_wait3A_218 : memref<1000000xf32, #tpu.memory_space<hbm>>) dst(%dma_wait3A_214 : memref<128xf32, #tpu.memory_space<vmem>>)
    %dma_wait3A_219 = arith.constant 384 : i32
    %dma_wait3A_220 = tpu.memref_slice %arg15[%dma_wait3A_219] : memref<512xf32, #tpu.memory_space<vmem>> -> memref<128xf32, #tpu.memory_space<vmem>>
    %dma_wait3A_221 = arith.constant 384 : i32
    %dma_wait3A_222 = tpu.memref_slice %arg11[%dma_wait3A_221] : memref<512xi32, #tpu.memory_space<vmem>> -> memref<128xi32, #tpu.memory_space<vmem>>
    %dma_wait3A_223 = arith.constant 0 : i32
    %dma_wait3A_224 = tpu.memref_slice %arg7[%dma_wait3A_223] : memref<100000xf32, #tpu.memory_space<hbm>> -> memref<100000xf32, #tpu.memory_space<hbm>>
    tpu.wait_indirect_dma semaphore(%arg33 : memref<!tpu.dma_semaphore, #tpu.memory_space<semaphore_mem>>) src(%dma_wait3A_224 : memref<100000xf32, #tpu.memory_space<hbm>>) dst(%dma_wait3A_220 : memref<128xf32, #tpu.memory_space<vmem>>)
    %get3A = arith.constant 0 : index
    %get3A_225 = tpu.vector_load %arg16[%get3A] {strides = array<i32>} : memref<16xf32, #tpu.memory_space<vmem>>, vector<16xf32>,
    %iota3A = tpu.iota {dimensions = array<i32: 0>} : vector<16xi32>
    %scan3A = arith.constant 0 : i32
    %scan3A_226 = arith.constant 0 : i32
    %scan3A_227 = arith.constant 32 : i32
    %scan3A_228 = arith.addi %scan3A_226, %scan3A_227 : i32
    %scan3A_229 = arith.constant 1 : i32
    scf.for %scan3A_231 = %scan3A_226 to %scan3A_228 step %scan3A_229  : i32 {
      %mul3A_232 = arith.constant 16 : i32
      %mul3A_233 = arith.muli %scan3A_231, %mul3A_232 : i32
      %get3A_234 = arith.index_cast %mul3A_233 : i32 to index
      %get3A_235 = tpu.vector_load %arg14[%get3A_234] {strides = array<i32>} : memref<512xf32, #tpu.memory_space<vmem>>, vector<16xf32>,
      %get3A_236 = arith.index_cast %mul3A_233 : i32 to index
      %get3A_237 = tpu.vector_load %arg15[%get3A_236] {strides = array<i32>} : memref<512xf32, #tpu.memory_space<vmem>>, vector<16xf32>,
      %add3A_238 = arith.addf %get3A_235, %get3A_237 : vector<16xf32>
      %add3A_239 = arith.addf %add3A_238, %get3A_225 : vector<16xf32>
      %add3A_240 = arith.constant 0 : i32
      %add3A_241 = arith.addi %mul3A_233, %add3A_240 : i32
      %get3A_242 = arith.index_cast %add3A_241 : i32 to index
      %get3A_243 = arith.constant 0 : index
      %get3A_244 = tpu.vector_load %arg12[%get3A_242, %get3A_243] {strides = array<i32>} : memref<512x32xf32, #tpu.memory_space<vmem>>, vector<16xf32>,
      %get3A_245 = arith.index_cast %add3A_241 : i32 to index
      %get3A_246 = arith.constant 0 : index
      %get3A_247 = tpu.vector_load %arg13[%get3A_245, %get3A_246] {strides = array<i32>} : memref<512x32xf32, #tpu.memory_space<vmem>>, vector<16xf32>,
      %get3A_248 = arith.index_cast %add3A_241 : i32 to index
      %get3A_249 = arith.constant 16 : index
      %get3A_250 = tpu.vector_load %arg12[%get3A_248, %get3A_249] {strides = array<i32>} : memref<512x32xf32, #tpu.memory_space<vmem>>, vector<16xf32>,
      %get3A_251 = arith.index_cast %add3A_241 : i32 to index
      %get3A_252 = arith.constant 16 : index
      %get3A_253 = tpu.vector_load %arg13[%get3A_251, %get3A_252] {strides = array<i32>} : memref<512x32xf32, #tpu.memory_space<vmem>>, vector<16xf32>,
      %mul3A_254 = arith.mulf %get3A_244, %get3A_247 : vector<16xf32>
      %mul3A_255 = arith.mulf %get3A_250, %get3A_253 : vector<16xf32>
      %add3A_256 = arith.addf %mul3A_254, %mul3A_255 : vector<16xf32>
      %eq3A = arith.constant 0 : i32
      %eq3A_257 = vector.broadcast %eq3A : i32 to vector<16xi32>
      %eq3A_258 = arith.cmpi eq, %iota3A, %eq3A_257 : vector<16xi32>
      %reduce_sum3A = arith.constant true
      %reduce_sum3A_259 = vector.broadcast %reduce_sum3A : i1 to vector<16xi1>
      %reduce_sum3A_260 = tpu.scan <sum>, %add3A_256 masked %reduce_sum3A_259 : vector<16xf32>, vector<16xi1> -> vector<16xf32>
      %reduce_sum3A_261 = vector.extract %reduce_sum3A_260[15] : f32 from vector<16xf32>
      %add3A_262 = vector.broadcast %reduce_sum3A_261 : f32 to vector<16xf32>
      %add3A_263 = arith.addf %add3A_239, %add3A_262 : vector<16xf32>
      %select_n3A = arith.select %eq3A_258, %add3A_263, %add3A_239 : vector<16xi1>, vector<16xf32>
      %add3A_264 = arith.constant 1 : i32
      %add3A_265 = arith.addi %mul3A_233, %add3A_264 : i32
      %get3A_266 = arith.index_cast %add3A_265 : i32 to index
      %get3A_267 = arith.constant 0 : index
      %get3A_268 = tpu.vector_load %arg12[%get3A_266, %get3A_267] {strides = array<i32>} : memref<512x32xf32, #tpu.memory_space<vmem>>, vector<16xf32>,
      %get3A_269 = arith.index_cast %add3A_265 : i32 to index
      %get3A_270 = arith.constant 0 : index
      %get3A_271 = tpu.vector_load %arg13[%get3A_269, %get3A_270] {strides = array<i32>} : memref<512x32xf32, #tpu.memory_space<vmem>>, vector<16xf32>,
      %get3A_272 = arith.index_cast %add3A_265 : i32 to index
      %get3A_273 = arith.constant 16 : index
      %get3A_274 = tpu.vector_load %arg12[%get3A_272, %get3A_273] {strides = array<i32>} : memref<512x32xf32, #tpu.memory_space<vmem>>, vector<16xf32>,
      %get3A_275 = arith.index_cast %add3A_265 : i32 to index
      %get3A_276 = arith.constant 16 : index
      %get3A_277 = tpu.vector_load %arg13[%get3A_275, %get3A_276] {strides = array<i32>} : memref<512x32xf32, #tpu.memory_space<vmem>>, vector<16xf32>,
      %mul3A_278 = arith.mulf %get3A_268, %get3A_271 : vector<16xf32>
      %mul3A_279 = arith.mulf %get3A_274, %get3A_277 : vector<16xf32>
      %add3A_280 = arith.addf %mul3A_278, %mul3A_279 : vector<16xf32>
      %eq3A_281 = arith.constant 1 : i32
      %eq3A_282 = vector.broadcast %eq3A_281 : i32 to vector<16xi32>
      %eq3A_283 = arith.cmpi eq, %iota3A, %eq3A_282 : vector<16xi32>
      %reduce_sum3A_284 = arith.constant true
      %reduce_sum3A_285 = vector.broadcast %reduce_sum3A_284 : i1 to vector<16xi1>
      %reduce_sum3A_286 = tpu.scan <sum>, %add3A_280 masked %reduce_sum3A_285 : vector<16xf32>, vector<16xi1> -> vector<16xf32>
      %reduce_sum3A_287 = vector.extract %reduce_sum3A_286[15] : f32 from vector<16xf32>
      %add3A_288 = vector.broadcast %reduce_sum3A_287 : f32 to vector<16xf32>
      %add3A_289 = arith.addf %select_n3A, %add3A_288 : vector<16xf32>
      %select_n3A_290 = arith.select %eq3A_283, %add3A_289, %select_n3A : vector<16xi1>, vector<16xf32>
      %add3A_291 = arith.constant 2 : i32
      %add3A_292 = arith.addi %mul3A_233, %add3A_291 : i32
      %get3A_293 = arith.index_cast %add3A_292 : i32 to index
      %get3A_294 = arith.constant 0 : index
      %get3A_295 = tpu.vector_load %arg12[%get3A_293, %get3A_294] {strides = array<i32>} : memref<512x32xf32, #tpu.memory_space<vmem>>, vector<16xf32>,
      %get3A_296 = arith.index_cast %add3A_292 : i32 to index
      %get3A_297 = arith.constant 0 : index
      %get3A_298 = tpu.vector_load %arg13[%get3A_296, %get3A_297] {strides = array<i32>} : memref<512x32xf32, #tpu.memory_space<vmem>>, vector<16xf32>,
      %get3A_299 = arith.index_cast %add3A_292 : i32 to index
      %get3A_300 = arith.constant 16 : index
      %get3A_301 = tpu.vector_load %arg12[%get3A_299, %get3A_300] {strides = array<i32>} : memref<512x32xf32, #tpu.memory_space<vmem>>, vector<16xf32>,
      %get3A_302 = arith.index_cast %add3A_292 : i32 to index
      %get3A_303 = arith.constant 16 : index
      %get3A_304 = tpu.vector_load %arg13[%get3A_302, %get3A_303] {strides = array<i32>} : memref<512x32xf32, #tpu.memory_space<vmem>>, vector<16xf32>,
      %mul3A_305 = arith.mulf %get3A_295, %get3A_298 : vector<16xf32>
      %mul3A_306 = arith.mulf %get3A_301, %get3A_304 : vector<16xf32>
      %add3A_307 = arith.addf %mul3A_305, %mul3A_306 : vector<16xf32>
      %eq3A_308 = arith.constant 2 : i32
      %eq3A_309 = vector.broadcast %eq3A_308 : i32 to vector<16xi32>
      %eq3A_310 = arith.cmpi eq, %iota3A, %eq3A_309 : vector<16xi32>
      %reduce_sum3A_311 = arith.constant true
      %reduce_sum3A_312 = vector.broadcast %reduce_sum3A_311 : i1 to vector<16xi1>
      %reduce_sum3A_313 = tpu.scan <sum>, %add3A_307 masked %reduce_sum3A_312 : vector<16xf32>, vector<16xi1> -> vector<16xf32>
      %reduce_sum3A_314 = vector.extract %reduce_sum3A_313[15] : f32 from vector<16xf32>
      %add3A_315 = vector.broadcast %reduce_sum3A_314 : f32 to vector<16xf32>
      %add3A_316 = arith.addf %select_n3A_290, %add3A_315 : vector<16xf32>
      %select_n3A_317 = arith.select %eq3A_310, %add3A_316, %select_n3A_290 : vector<16xi1>, vector<16xf32>
      %add3A_318 = arith.constant 3 : i32
      %add3A_319 = arith.addi %mul3A_233, %add3A_318 : i32
      %get3A_320 = arith.index_cast %add3A_319 : i32 to index
      %get3A_321 = arith.constant 0 : index
      %get3A_322 = tpu.vector_load %arg12[%get3A_320, %get3A_321] {strides = array<i32>} : memref<512x32xf32, #tpu.memory_space<vmem>>, vector<16xf32>,
      %get3A_323 = arith.index_cast %add3A_319 : i32 to index
      %get3A_324 = arith.constant 0 : index
      %get3A_325 = tpu.vector_load %arg13[%get3A_323, %get3A_324] {strides = array<i32>} : memref<512x32xf32, #tpu.memory_space<vmem>>, vector<16xf32>,
      %get3A_326 = arith.index_cast %add3A_319 : i32 to index
      %get3A_327 = arith.constant 16 : index
      %get3A_328 = tpu.vector_load %arg12[%get3A_326, %get3A_327] {strides = array<i32>} : memref<512x32xf32, #tpu.memory_space<vmem>>, vector<16xf32>,
      %get3A_329 = arith.index_cast %add3A_319 : i32 to index
      %get3A_330 = arith.constant 16 : index
      %get3A_331 = tpu.vector_load %arg13[%get3A_329, %get3A_330] {strides = array<i32>} : memref<512x32xf32, #tpu.memory_space<vmem>>, vector<16xf32>,
      %mul3A_332 = arith.mulf %get3A_322, %get3A_325 : vector<16xf32>
      %mul3A_333 = arith.mulf %get3A_328, %get3A_331 : vector<16xf32>
      %add3A_334 = arith.addf %mul3A_332, %mul3A_333 : vector<16xf32>
      %eq3A_335 = arith.constant 3 : i32
      %eq3A_336 = vector.broadcast %eq3A_335 : i32 to vector<16xi32>
      %eq3A_337 = arith.cmpi eq, %iota3A, %eq3A_336 : vector<16xi32>
      %reduce_sum3A_338 = arith.constant true
      %reduce_sum3A_339 = vector.broadcast %reduce_sum3A_338 : i1 to vector<16xi1>
      %reduce_sum3A_340 = tpu.scan <sum>, %add3A_334 masked %reduce_sum3A_339 : vector<16xf32>, vector<16xi1> -> vector<16xf32>
      %reduce_sum3A_341 = vector.extract %reduce_sum3A_340[15] : f32 from vector<16xf32>
      %add3A_342 = vector.broadcast %reduce_sum3A_341 : f32 to vector<16xf32>
      %add3A_343 = arith.addf %select_n3A_317, %add3A_342 : vector<16xf32>
      %select_n3A_344 = arith.select %eq3A_337, %add3A_343, %select_n3A_317 : vector<16xi1>, vector<16xf32>
      %add3A_345 = arith.constant 4 : i32
      %add3A_346 = arith.addi %mul3A_233, %add3A_345 : i32
      %get3A_347 = arith.index_cast %add3A_346 : i32 to index
      %get3A_348 = arith.constant 0 : index
      %get3A_349 = tpu.vector_load %arg12[%get3A_347, %get3A_348] {strides = array<i32>} : memref<512x32xf32, #tpu.memory_space<vmem>>, vector<16xf32>,
      %get3A_350 = arith.index_cast %add3A_346 : i32 to index
      %get3A_351 = arith.constant 0 : index
      %get3A_352 = tpu.vector_load %arg13[%get3A_350, %get3A_351] {strides = array<i32>} : memref<512x32xf32, #tpu.memory_space<vmem>>, vector<16xf32>,
      %get3A_353 = arith.index_cast %add3A_346 : i32 to index
      %get3A_354 = arith.constant 16 : index
      %get3A_355 = tpu.vector_load %arg12[%get3A_353, %get3A_354] {strides = array<i32>} : memref<512x32xf32, #tpu.memory_space<vmem>>, vector<16xf32>,
      %get3A_356 = arith.index_cast %add3A_346 : i32 to index
      %get3A_357 = arith.constant 16 : index
      %get3A_358 = tpu.vector_load %arg13[%get3A_356, %get3A_357] {strides = array<i32>} : memref<512x32xf32, #tpu.memory_space<vmem>>, vector<16xf32>,
      %mul3A_359 = arith.mulf %get3A_349, %get3A_352 : vector<16xf32>
      %mul3A_360 = arith.mulf %get3A_355, %get3A_358 : vector<16xf32>
      %add3A_361 = arith.addf %mul3A_359, %mul3A_360 : vector<16xf32>
      %eq3A_362 = arith.constant 4 : i32
      %eq3A_363 = vector.broadcast %eq3A_362 : i32 to vector<16xi32>
      %eq3A_364 = arith.cmpi eq, %iota3A, %eq3A_363 : vector<16xi32>
      %reduce_sum3A_365 = arith.constant true
      %reduce_sum3A_366 = vector.broadcast %reduce_sum3A_365 : i1 to vector<16xi1>
      %reduce_sum3A_367 = tpu.scan <sum>, %add3A_361 masked %reduce_sum3A_366 : vector<16xf32>, vector<16xi1> -> vector<16xf32>
      %reduce_sum3A_368 = vector.extract %reduce_sum3A_367[15] : f32 from vector<16xf32>
      %add3A_369 = vector.broadcast %reduce_sum3A_368 : f32 to vector<16xf32>
      %add3A_370 = arith.addf %select_n3A_344, %add3A_369 : vector<16xf32>
      %select_n3A_371 = arith.select %eq3A_364, %add3A_370, %select_n3A_344 : vector<16xi1>, vector<16xf32>
      %add3A_372 = arith.constant 5 : i32
      %add3A_373 = arith.addi %mul3A_233, %add3A_372 : i32
      %get3A_374 = arith.index_cast %add3A_373 : i32 to index
      %get3A_375 = arith.constant 0 : index
      %get3A_376 = tpu.vector_load %arg12[%get3A_374, %get3A_375] {strides = array<i32>} : memref<512x32xf32, #tpu.memory_space<vmem>>, vector<16xf32>,
      %get3A_377 = arith.index_cast %add3A_373 : i32 to index
      %get3A_378 = arith.constant 0 : index
      %get3A_379 = tpu.vector_load %arg13[%get3A_377, %get3A_378] {strides = array<i32>} : memref<512x32xf32, #tpu.memory_space<vmem>>, vector<16xf32>,
      %get3A_380 = arith.index_cast %add3A_373 : i32 to index
      %get3A_381 = arith.constant 16 : index
      %get3A_382 = tpu.vector_load %arg12[%get3A_380, %get3A_381] {strides = array<i32>} : memref<512x32xf32, #tpu.memory_space<vmem>>, vector<16xf32>,
      %get3A_383 = arith.index_cast %add3A_373 : i32 to index
      %get3A_384 = arith.constant 16 : index
      %get3A_385 = tpu.vector_load %arg13[%get3A_383, %get3A_384] {strides = array<i32>} : memref<512x32xf32, #tpu.memory_space<vmem>>, vector<16xf32>,
      %mul3A_386 = arith.mulf %get3A_376, %get3A_379 : vector<16xf32>
      %mul3A_387 = arith.mulf %get3A_382, %get3A_385 : vector<16xf32>
      %add3A_388 = arith.addf %mul3A_386, %mul3A_387 : vector<16xf32>
      %eq3A_389 = arith.constant 5 : i32
      %eq3A_390 = vector.broadcast %eq3A_389 : i32 to vector<16xi32>
      %eq3A_391 = arith.cmpi eq, %iota3A, %eq3A_390 : vector<16xi32>
      %reduce_sum3A_392 = arith.constant true
      %reduce_sum3A_393 = vector.broadcast %reduce_sum3A_392 : i1 to vector<16xi1>
      %reduce_sum3A_394 = tpu.scan <sum>, %add3A_388 masked %reduce_sum3A_393 : vector<16xf32>, vector<16xi1> -> vector<16xf32>
      %reduce_sum3A_395 = vector.extract %reduce_sum3A_394[15] : f32 from vector<16xf32>
      %add3A_396 = vector.broadcast %reduce_sum3A_395 : f32 to vector<16xf32>
      %add3A_397 = arith.addf %select_n3A_371, %add3A_396 : vector<16xf32>
      %select_n3A_398 = arith.select %eq3A_391, %add3A_397, %select_n3A_371 : vector<16xi1>, vector<16xf32>
      %add3A_399 = arith.constant 6 : i32
      %add3A_400 = arith.addi %mul3A_233, %add3A_399 : i32
      %get3A_401 = arith.index_cast %add3A_400 : i32 to index
      %get3A_402 = arith.constant 0 : index
      %get3A_403 = tpu.vector_load %arg12[%get3A_401, %get3A_402] {strides = array<i32>} : memref<512x32xf32, #tpu.memory_space<vmem>>, vector<16xf32>,
      %get3A_404 = arith.index_cast %add3A_400 : i32 to index
      %get3A_405 = arith.constant 0 : index
      %get3A_406 = tpu.vector_load %arg13[%get3A_404, %get3A_405] {strides = array<i32>} : memref<512x32xf32, #tpu.memory_space<vmem>>, vector<16xf32>,
      %get3A_407 = arith.index_cast %add3A_400 : i32 to index
      %get3A_408 = arith.constant 16 : index
      %get3A_409 = tpu.vector_load %arg12[%get3A_407, %get3A_408] {strides = array<i32>} : memref<512x32xf32, #tpu.memory_space<vmem>>, vector<16xf32>,
      %get3A_410 = arith.index_cast %add3A_400 : i32 to index
      %get3A_411 = arith.constant 16 : index
      %get3A_412 = tpu.vector_load %arg13[%get3A_410, %get3A_411] {strides = array<i32>} : memref<512x32xf32, #tpu.memory_space<vmem>>, vector<16xf32>,
      %mul3A_413 = arith.mulf %get3A_403, %get3A_406 : vector<16xf32>
      %mul3A_414 = arith.mulf %get3A_409, %get3A_412 : vector<16xf32>
      %add3A_415 = arith.addf %mul3A_413, %mul3A_414 : vector<16xf32>
      %eq3A_416 = arith.constant 6 : i32
      %eq3A_417 = vector.broadcast %eq3A_416 : i32 to vector<16xi32>
      %eq3A_418 = arith.cmpi eq, %iota3A, %eq3A_417 : vector<16xi32>
      %reduce_sum3A_419 = arith.constant true
      %reduce_sum3A_420 = vector.broadcast %reduce_sum3A_419 : i1 to vector<16xi1>
      %reduce_sum3A_421 = tpu.scan <sum>, %add3A_415 masked %reduce_sum3A_420 : vector<16xf32>, vector<16xi1> -> vector<16xf32>
      %reduce_sum3A_422 = vector.extract %reduce_sum3A_421[15] : f32 from vector<16xf32>
      %add3A_423 = vector.broadcast %reduce_sum3A_422 : f32 to vector<16xf32>
      %add3A_424 = arith.addf %select_n3A_398, %add3A_423 : vector<16xf32>
      %select_n3A_425 = arith.select %eq3A_418, %add3A_424, %select_n3A_398 : vector<16xi1>, vector<16xf32>
      %add3A_426 = arith.constant 7 : i32
      %add3A_427 = arith.addi %mul3A_233, %add3A_426 : i32
      %get3A_428 = arith.index_cast %add3A_427 : i32 to index
      %get3A_429 = arith.constant 0 : index
      %get3A_430 = tpu.vector_load %arg12[%get3A_428, %get3A_429] {strides = array<i32>} : memref<512x32xf32, #tpu.memory_space<vmem>>, vector<16xf32>,
      %get3A_431 = arith.index_cast %add3A_427 : i32 to index
      %get3A_432 = arith.constant 0 : index
      %get3A_433 = tpu.vector_load %arg13[%get3A_431, %get3A_432] {strides = array<i32>} : memref<512x32xf32, #tpu.memory_space<vmem>>, vector<16xf32>,
      %get3A_434 = arith.index_cast %add3A_427 : i32 to index
      %get3A_435 = arith.constant 16 : index
      %get3A_436 = tpu.vector_load %arg12[%get3A_434, %get3A_435] {strides = array<i32>} : memref<512x32xf32, #tpu.memory_space<vmem>>, vector<16xf32>,
      %get3A_437 = arith.index_cast %add3A_427 : i32 to index
      %get3A_438 = arith.constant 16 : index
      %get3A_439 = tpu.vector_load %arg13[%get3A_437, %get3A_438] {strides = array<i32>} : memref<512x32xf32, #tpu.memory_space<vmem>>, vector<16xf32>,
      %mul3A_440 = arith.mulf %get3A_430, %get3A_433 : vector<16xf32>
      %mul3A_441 = arith.mulf %get3A_436, %get3A_439 : vector<16xf32>
      %add3A_442 = arith.addf %mul3A_440, %mul3A_441 : vector<16xf32>
      %eq3A_443 = arith.constant 7 : i32
      %eq3A_444 = vector.broadcast %eq3A_443 : i32 to vector<16xi32>
      %eq3A_445 = arith.cmpi eq, %iota3A, %eq3A_444 : vector<16xi32>
      %reduce_sum3A_446 = arith.constant true
      %reduce_sum3A_447 = vector.broadcast %reduce_sum3A_446 : i1 to vector<16xi1>
      %reduce_sum3A_448 = tpu.scan <sum>, %add3A_442 masked %reduce_sum3A_447 : vector<16xf32>, vector<16xi1> -> vector<16xf32>
      %reduce_sum3A_449 = vector.extract %reduce_sum3A_448[15] : f32 from vector<16xf32>
      %add3A_450 = vector.broadcast %reduce_sum3A_449 : f32 to vector<16xf32>
      %add3A_451 = arith.addf %select_n3A_425, %add3A_450 : vector<16xf32>
      %select_n3A_452 = arith.select %eq3A_445, %add3A_451, %select_n3A_425 : vector<16xi1>, vector<16xf32>
      %add3A_453 = arith.constant 8 : i32
      %add3A_454 = arith.addi %mul3A_233, %add3A_453 : i32
      %get3A_455 = arith.index_cast %add3A_454 : i32 to index
      %get3A_456 = arith.constant 0 : index
      %get3A_457 = tpu.vector_load %arg12[%get3A_455, %get3A_456] {strides = array<i32>} : memref<512x32xf32, #tpu.memory_space<vmem>>, vector<16xf32>,
      %get3A_458 = arith.index_cast %add3A_454 : i32 to index
      %get3A_459 = arith.constant 0 : index
      %get3A_460 = tpu.vector_load %arg13[%get3A_458, %get3A_459] {strides = array<i32>} : memref<512x32xf32, #tpu.memory_space<vmem>>, vector<16xf32>,
      %get3A_461 = arith.index_cast %add3A_454 : i32 to index
      %get3A_462 = arith.constant 16 : index
      %get3A_463 = tpu.vector_load %arg12[%get3A_461, %get3A_462] {strides = array<i32>} : memref<512x32xf32, #tpu.memory_space<vmem>>, vector<16xf32>,
      %get3A_464 = arith.index_cast %add3A_454 : i32 to index
      %get3A_465 = arith.constant 16 : index
      %get3A_466 = tpu.vector_load %arg13[%get3A_464, %get3A_465] {strides = array<i32>} : memref<512x32xf32, #tpu.memory_space<vmem>>, vector<16xf32>,
      %mul3A_467 = arith.mulf %get3A_457, %get3A_460 : vector<16xf32>
      %mul3A_468 = arith.mulf %get3A_463, %get3A_466 : vector<16xf32>
      %add3A_469 = arith.addf %mul3A_467, %mul3A_468 : vector<16xf32>
      %eq3A_470 = arith.constant 8 : i32
      %eq3A_471 = vector.broadcast %eq3A_470 : i32 to vector<16xi32>
      %eq3A_472 = arith.cmpi eq, %iota3A, %eq3A_471 : vector<16xi32>
      %reduce_sum3A_473 = arith.constant true
      %reduce_sum3A_474 = vector.broadcast %reduce_sum3A_473 : i1 to vector<16xi1>
      %reduce_sum3A_475 = tpu.scan <sum>, %add3A_469 masked %reduce_sum3A_474 : vector<16xf32>, vector<16xi1> -> vector<16xf32>
      %reduce_sum3A_476 = vector.extract %reduce_sum3A_475[15] : f32 from vector<16xf32>
      %add3A_477 = vector.broadcast %reduce_sum3A_476 : f32 to vector<16xf32>
      %add3A_478 = arith.addf %select_n3A_452, %add3A_477 : vector<16xf32>
      %select_n3A_479 = arith.select %eq3A_472, %add3A_478, %select_n3A_452 : vector<16xi1>, vector<16xf32>
      %add3A_480 = arith.constant 9 : i32
      %add3A_481 = arith.addi %mul3A_233, %add3A_480 : i32
      %get3A_482 = arith.index_cast %add3A_481 : i32 to index
      %get3A_483 = arith.constant 0 : index
      %get3A_484 = tpu.vector_load %arg12[%get3A_482, %get3A_483] {strides = array<i32>} : memref<512x32xf32, #tpu.memory_space<vmem>>, vector<16xf32>,
      %get3A_485 = arith.index_cast %add3A_481 : i32 to index
      %get3A_486 = arith.constant 0 : index
      %get3A_487 = tpu.vector_load %arg13[%get3A_485, %get3A_486] {strides = array<i32>} : memref<512x32xf32, #tpu.memory_space<vmem>>, vector<16xf32>,
      %get3A_488 = arith.index_cast %add3A_481 : i32 to index
      %get3A_489 = arith.constant 16 : index
      %get3A_490 = tpu.vector_load %arg12[%get3A_488, %get3A_489] {strides = array<i32>} : memref<512x32xf32, #tpu.memory_space<vmem>>, vector<16xf32>,
      %get3A_491 = arith.index_cast %add3A_481 : i32 to index
      %get3A_492 = arith.constant 16 : index
      %get3A_493 = tpu.vector_load %arg13[%get3A_491, %get3A_492] {strides = array<i32>} : memref<512x32xf32, #tpu.memory_space<vmem>>, vector<16xf32>,
      %mul3A_494 = arith.mulf %get3A_484, %get3A_487 : vector<16xf32>
      %mul3A_495 = arith.mulf %get3A_490, %get3A_493 : vector<16xf32>
      %add3A_496 = arith.addf %mul3A_494, %mul3A_495 : vector<16xf32>
      %eq3A_497 = arith.constant 9 : i32
      %eq3A_498 = vector.broadcast %eq3A_497 : i32 to vector<16xi32>
      %eq3A_499 = arith.cmpi eq, %iota3A, %eq3A_498 : vector<16xi32>
      %reduce_sum3A_500 = arith.constant true
      %reduce_sum3A_501 = vector.broadcast %reduce_sum3A_500 : i1 to vector<16xi1>
      %reduce_sum3A_502 = tpu.scan <sum>, %add3A_496 masked %reduce_sum3A_501 : vector<16xf32>, vector<16xi1> -> vector<16xf32>
      %reduce_sum3A_503 = vector.extract %reduce_sum3A_502[15] : f32 from vector<16xf32>
      %add3A_504 = vector.broadcast %reduce_sum3A_503 : f32 to vector<16xf32>
      %add3A_505 = arith.addf %select_n3A_479, %add3A_504 : vector<16xf32>
      %select_n3A_506 = arith.select %eq3A_499, %add3A_505, %select_n3A_479 : vector<16xi1>, vector<16xf32>
      %add3A_507 = arith.constant 10 : i32
      %add3A_508 = arith.addi %mul3A_233, %add3A_507 : i32
      %get3A_509 = arith.index_cast %add3A_508 : i32 to index
      %get3A_510 = arith.constant 0 : index
      %get3A_511 = tpu.vector_load %arg12[%get3A_509, %get3A_510] {strides = array<i32>} : memref<512x32xf32, #tpu.memory_space<vmem>>, vector<16xf32>,
      %get3A_512 = arith.index_cast %add3A_508 : i32 to index
      %get3A_513 = arith.constant 0 : index
      %get3A_514 = tpu.vector_load %arg13[%get3A_512, %get3A_513] {strides = array<i32>} : memref<512x32xf32, #tpu.memory_space<vmem>>, vector<16xf32>,
      %get3A_515 = arith.index_cast %add3A_508 : i32 to index
      %get3A_516 = arith.constant 16 : index
      %get3A_517 = tpu.vector_load %arg12[%get3A_515, %get3A_516] {strides = array<i32>} : memref<512x32xf32, #tpu.memory_space<vmem>>, vector<16xf32>,
      %get3A_518 = arith.index_cast %add3A_508 : i32 to index
      %get3A_519 = arith.constant 16 : index
      %get3A_520 = tpu.vector_load %arg13[%get3A_518, %get3A_519] {strides = array<i32>} : memref<512x32xf32, #tpu.memory_space<vmem>>, vector<16xf32>,
      %mul3A_521 = arith.mulf %get3A_511, %get3A_514 : vector<16xf32>
      %mul3A_522 = arith.mulf %get3A_517, %get3A_520 : vector<16xf32>
      %add3A_523 = arith.addf %mul3A_521, %mul3A_522 : vector<16xf32>
      %eq3A_524 = arith.constant 10 : i32
      %eq3A_525 = vector.broadcast %eq3A_524 : i32 to vector<16xi32>
      %eq3A_526 = arith.cmpi eq, %iota3A, %eq3A_525 : vector<16xi32>
      %reduce_sum3A_527 = arith.constant true
      %reduce_sum3A_528 = vector.broadcast %reduce_sum3A_527 : i1 to vector<16xi1>
      %reduce_sum3A_529 = tpu.scan <sum>, %add3A_523 masked %reduce_sum3A_528 : vector<16xf32>, vector<16xi1> -> vector<16xf32>
      %reduce_sum3A_530 = vector.extract %reduce_sum3A_529[15] : f32 from vector<16xf32>
      %add3A_531 = vector.broadcast %reduce_sum3A_530 : f32 to vector<16xf32>
      %add3A_532 = arith.addf %select_n3A_506, %add3A_531 : vector<16xf32>
      %select_n3A_533 = arith.select %eq3A_526, %add3A_532, %select_n3A_506 : vector<16xi1>, vector<16xf32>
      %add3A_534 = arith.constant 11 : i32
      %add3A_535 = arith.addi %mul3A_233, %add3A_534 : i32
      %get3A_536 = arith.index_cast %add3A_535 : i32 to index
      %get3A_537 = arith.constant 0 : index
      %get3A_538 = tpu.vector_load %arg12[%get3A_536, %get3A_537] {strides = array<i32>} : memref<512x32xf32, #tpu.memory_space<vmem>>, vector<16xf32>,
      %get3A_539 = arith.index_cast %add3A_535 : i32 to index
      %get3A_540 = arith.constant 0 : index
      %get3A_541 = tpu.vector_load %arg13[%get3A_539, %get3A_540] {strides = array<i32>} : memref<512x32xf32, #tpu.memory_space<vmem>>, vector<16xf32>,
      %get3A_542 = arith.index_cast %add3A_535 : i32 to index
      %get3A_543 = arith.constant 16 : index
      %get3A_544 = tpu.vector_load %arg12[%get3A_542, %get3A_543] {strides = array<i32>} : memref<512x32xf32, #tpu.memory_space<vmem>>, vector<16xf32>,
      %get3A_545 = arith.index_cast %add3A_535 : i32 to index
      %get3A_546 = arith.constant 16 : index
      %get3A_547 = tpu.vector_load %arg13[%get3A_545, %get3A_546] {strides = array<i32>} : memref<512x32xf32, #tpu.memory_space<vmem>>, vector<16xf32>,
      %mul3A_548 = arith.mulf %get3A_538, %get3A_541 : vector<16xf32>
      %mul3A_549 = arith.mulf %get3A_544, %get3A_547 : vector<16xf32>
      %add3A_550 = arith.addf %mul3A_548, %mul3A_549 : vector<16xf32>
      %eq3A_551 = arith.constant 11 : i32
      %eq3A_552 = vector.broadcast %eq3A_551 : i32 to vector<16xi32>
      %eq3A_553 = arith.cmpi eq, %iota3A, %eq3A_552 : vector<16xi32>
      %reduce_sum3A_554 = arith.constant true
      %reduce_sum3A_555 = vector.broadcast %reduce_sum3A_554 : i1 to vector<16xi1>
      %reduce_sum3A_556 = tpu.scan <sum>, %add3A_550 masked %reduce_sum3A_555 : vector<16xf32>, vector<16xi1> -> vector<16xf32>
      %reduce_sum3A_557 = vector.extract %reduce_sum3A_556[15] : f32 from vector<16xf32>
      %add3A_558 = vector.broadcast %reduce_sum3A_557 : f32 to vector<16xf32>
      %add3A_559 = arith.addf %select_n3A_533, %add3A_558 : vector<16xf32>
      %select_n3A_560 = arith.select %eq3A_553, %add3A_559, %select_n3A_533 : vector<16xi1>, vector<16xf32>
      %add3A_561 = arith.constant 12 : i32
      %add3A_562 = arith.addi %mul3A_233, %add3A_561 : i32
      %get3A_563 = arith.index_cast %add3A_562 : i32 to index
      %get3A_564 = arith.constant 0 : index
      %get3A_565 = tpu.vector_load %arg12[%get3A_563, %get3A_564] {strides = array<i32>} : memref<512x32xf32, #tpu.memory_space<vmem>>, vector<16xf32>,
      %get3A_566 = arith.index_cast %add3A_562 : i32 to index
      %get3A_567 = arith.constant 0 : index
      %get3A_568 = tpu.vector_load %arg13[%get3A_566, %get3A_567] {strides = array<i32>} : memref<512x32xf32, #tpu.memory_space<vmem>>, vector<16xf32>,
      %get3A_569 = arith.index_cast %add3A_562 : i32 to index
      %get3A_570 = arith.constant 16 : index
      %get3A_571 = tpu.vector_load %arg12[%get3A_569, %get3A_570] {strides = array<i32>} : memref<512x32xf32, #tpu.memory_space<vmem>>, vector<16xf32>,
      %get3A_572 = arith.index_cast %add3A_562 : i32 to index
      %get3A_573 = arith.constant 16 : index
      %get3A_574 = tpu.vector_load %arg13[%get3A_572, %get3A_573] {strides = array<i32>} : memref<512x32xf32, #tpu.memory_space<vmem>>, vector<16xf32>,
      %mul3A_575 = arith.mulf %get3A_565, %get3A_568 : vector<16xf32>
      %mul3A_576 = arith.mulf %get3A_571, %get3A_574 : vector<16xf32>
      %add3A_577 = arith.addf %mul3A_575, %mul3A_576 : vector<16xf32>
      %eq3A_578 = arith.constant 12 : i32
      %eq3A_579 = vector.broadcast %eq3A_578 : i32 to vector<16xi32>
      %eq3A_580 = arith.cmpi eq, %iota3A, %eq3A_579 : vector<16xi32>
      %reduce_sum3A_581 = arith.constant true
      %reduce_sum3A_582 = vector.broadcast %reduce_sum3A_581 : i1 to vector<16xi1>
      %reduce_sum3A_583 = tpu.scan <sum>, %add3A_577 masked %reduce_sum3A_582 : vector<16xf32>, vector<16xi1> -> vector<16xf32>
      %reduce_sum3A_584 = vector.extract %reduce_sum3A_583[15] : f32 from vector<16xf32>
      %add3A_585 = vector.broadcast %reduce_sum3A_584 : f32 to vector<16xf32>
      %add3A_586 = arith.addf %select_n3A_560, %add3A_585 : vector<16xf32>
      %select_n3A_587 = arith.select %eq3A_580, %add3A_586, %select_n3A_560 : vector<16xi1>, vector<16xf32>
      %add3A_588 = arith.constant 13 : i32
      %add3A_589 = arith.addi %mul3A_233, %add3A_588 : i32
      %get3A_590 = arith.index_cast %add3A_589 : i32 to index
      %get3A_591 = arith.constant 0 : index
      %get3A_592 = tpu.vector_load %arg12[%get3A_590, %get3A_591] {strides = array<i32>} : memref<512x32xf32, #tpu.memory_space<vmem>>, vector<16xf32>,
      %get3A_593 = arith.index_cast %add3A_589 : i32 to index
      %get3A_594 = arith.constant 0 : index
      %get3A_595 = tpu.vector_load %arg13[%get3A_593, %get3A_594] {strides = array<i32>} : memref<512x32xf32, #tpu.memory_space<vmem>>, vector<16xf32>,
      %get3A_596 = arith.index_cast %add3A_589 : i32 to index
      %get3A_597 = arith.constant 16 : index
      %get3A_598 = tpu.vector_load %arg12[%get3A_596, %get3A_597] {strides = array<i32>} : memref<512x32xf32, #tpu.memory_space<vmem>>, vector<16xf32>,
      %get3A_599 = arith.index_cast %add3A_589 : i32 to index
      %get3A_600 = arith.constant 16 : index
      %get3A_601 = tpu.vector_load %arg13[%get3A_599, %get3A_600] {strides = array<i32>} : memref<512x32xf32, #tpu.memory_space<vmem>>, vector<16xf32>,
      %mul3A_602 = arith.mulf %get3A_592, %get3A_595 : vector<16xf32>
      %mul3A_603 = arith.mulf %get3A_598, %get3A_601 : vector<16xf32>
      %add3A_604 = arith.addf %mul3A_602, %mul3A_603 : vector<16xf32>
      %eq3A_605 = arith.constant 13 : i32
      %eq3A_606 = vector.broadcast %eq3A_605 : i32 to vector<16xi32>
      %eq3A_607 = arith.cmpi eq, %iota3A, %eq3A_606 : vector<16xi32>
      %reduce_sum3A_608 = arith.constant true
      %reduce_sum3A_609 = vector.broadcast %reduce_sum3A_608 : i1 to vector<16xi1>
      %reduce_sum3A_610 = tpu.scan <sum>, %add3A_604 masked %reduce_sum3A_609 : vector<16xf32>, vector<16xi1> -> vector<16xf32>
      %reduce_sum3A_611 = vector.extract %reduce_sum3A_610[15] : f32 from vector<16xf32>
      %add3A_612 = vector.broadcast %reduce_sum3A_611 : f32 to vector<16xf32>
      %add3A_613 = arith.addf %select_n3A_587, %add3A_612 : vector<16xf32>
      %select_n3A_614 = arith.select %eq3A_607, %add3A_613, %select_n3A_587 : vector<16xi1>, vector<16xf32>
      %add3A_615 = arith.constant 14 : i32
      %add3A_616 = arith.addi %mul3A_233, %add3A_615 : i32
      %get3A_617 = arith.index_cast %add3A_616 : i32 to index
      %get3A_618 = arith.constant 0 : index
      %get3A_619 = tpu.vector_load %arg12[%get3A_617, %get3A_618] {strides = array<i32>} : memref<512x32xf32, #tpu.memory_space<vmem>>, vector<16xf32>,
      %get3A_620 = arith.index_cast %add3A_616 : i32 to index
      %get3A_621 = arith.constant 0 : index
      %get3A_622 = tpu.vector_load %arg13[%get3A_620, %get3A_621] {strides = array<i32>} : memref<512x32xf32, #tpu.memory_space<vmem>>, vector<16xf32>,
      %get3A_623 = arith.index_cast %add3A_616 : i32 to index
      %get3A_624 = arith.constant 16 : index
      %get3A_625 = tpu.vector_load %arg12[%get3A_623, %get3A_624] {strides = array<i32>} : memref<512x32xf32, #tpu.memory_space<vmem>>, vector<16xf32>,
      %get3A_626 = arith.index_cast %add3A_616 : i32 to index
      %get3A_627 = arith.constant 16 : index
      %get3A_628 = tpu.vector_load %arg13[%get3A_626, %get3A_627] {strides = array<i32>} : memref<512x32xf32, #tpu.memory_space<vmem>>, vector<16xf32>,
      %mul3A_629 = arith.mulf %get3A_619, %get3A_622 : vector<16xf32>
      %mul3A_630 = arith.mulf %get3A_625, %get3A_628 : vector<16xf32>
      %add3A_631 = arith.addf %mul3A_629, %mul3A_630 : vector<16xf32>
      %eq3A_632 = arith.constant 14 : i32
      %eq3A_633 = vector.broadcast %eq3A_632 : i32 to vector<16xi32>
      %eq3A_634 = arith.cmpi eq, %iota3A, %eq3A_633 : vector<16xi32>
      %reduce_sum3A_635 = arith.constant true
      %reduce_sum3A_636 = vector.broadcast %reduce_sum3A_635 : i1 to vector<16xi1>
      %reduce_sum3A_637 = tpu.scan <sum>, %add3A_631 masked %reduce_sum3A_636 : vector<16xf32>, vector<16xi1> -> vector<16xf32>
      %reduce_sum3A_638 = vector.extract %reduce_sum3A_637[15] : f32 from vector<16xf32>
      %add3A_639 = vector.broadcast %reduce_sum3A_638 : f32 to vector<16xf32>
      %add3A_640 = arith.addf %select_n3A_614, %add3A_639 : vector<16xf32>
      %select_n3A_641 = arith.select %eq3A_634, %add3A_640, %select_n3A_614 : vector<16xi1>, vector<16xf32>
      %add3A_642 = arith.constant 15 : i32
      %add3A_643 = arith.addi %mul3A_233, %add3A_642 : i32
      %get3A_644 = arith.index_cast %add3A_643 : i32 to index
      %get3A_645 = arith.constant 0 : index
      %get3A_646 = tpu.vector_load %arg12[%get3A_644, %get3A_645] {strides = array<i32>} : memref<512x32xf32, #tpu.memory_space<vmem>>, vector<16xf32>,
      %get3A_647 = arith.index_cast %add3A_643 : i32 to index
      %get3A_648 = arith.constant 0 : index
      %get3A_649 = tpu.vector_load %arg13[%get3A_647, %get3A_648] {strides = array<i32>} : memref<512x32xf32, #tpu.memory_space<vmem>>, vector<16xf32>,
      %get3A_650 = arith.index_cast %add3A_643 : i32 to index
      %get3A_651 = arith.constant 16 : index
      %get3A_652 = tpu.vector_load %arg12[%get3A_650, %get3A_651] {strides = array<i32>} : memref<512x32xf32, #tpu.memory_space<vmem>>, vector<16xf32>,
      %get3A_653 = arith.index_cast %add3A_643 : i32 to index
      %get3A_654 = arith.constant 16 : index
      %get3A_655 = tpu.vector_load %arg13[%get3A_653, %get3A_654] {strides = array<i32>} : memref<512x32xf32, #tpu.memory_space<vmem>>, vector<16xf32>,
      %mul3A_656 = arith.mulf %get3A_646, %get3A_649 : vector<16xf32>
      %mul3A_657 = arith.mulf %get3A_652, %get3A_655 : vector<16xf32>
      %add3A_658 = arith.addf %mul3A_656, %mul3A_657 : vector<16xf32>
      %eq3A_659 = arith.constant 15 : i32
      %eq3A_660 = vector.broadcast %eq3A_659 : i32 to vector<16xi32>
      %eq3A_661 = arith.cmpi eq, %iota3A, %eq3A_660 : vector<16xi32>
      %reduce_sum3A_662 = arith.constant true
      %reduce_sum3A_663 = vector.broadcast %reduce_sum3A_662 : i1 to vector<16xi1>
      %reduce_sum3A_664 = tpu.scan <sum>, %add3A_658 masked %reduce_sum3A_663 : vector<16xf32>, vector<16xi1> -> vector<16xf32>
      %reduce_sum3A_665 = vector.extract %reduce_sum3A_664[15] : f32 from vector<16xf32>
      %add3A_666 = vector.broadcast %reduce_sum3A_665 : f32 to vector<16xf32>
      %add3A_667 = arith.addf %select_n3A_641, %add3A_666 : vector<16xf32>
      %select_n3A_668 = arith.select %eq3A_661, %add3A_667, %select_n3A_641 : vector<16xi1>, vector<16xf32>
      %swap3A = arith.index_cast %mul3A_233 : i32 to index
      %swap3A_669 = tpu.vector_load %arg17[%swap3A] {strides = array<i32>} : memref<512xf32, #tpu.memory_space<vmem>>, vector<16xf32>,
      tpu.vector_store %arg17[%swap3A], %select_n3A_668 {strides = array<i32>} : memref<512xf32, #tpu.memory_space<vmem>>, vector<16xf32>,
    }
    %scan3A_230 = arith.constant 32 : i32
    "tpu.region"() ({
      %run_scoped3A = tpu.sem_alloc : memref<!tpu.dma_semaphore, #tpu.memory_space<semaphore_mem>>
      %dma_start3A_231 = tpu.memref_slice %arg9[%mul3A_2] : memref<16384xf32, #tpu.memory_space<hbm>> -> memref<512xf32, #tpu.memory_space<hbm>>
      %dma_start3A_232 = tpu.memref_slice %arg9[%mul3A_2] : memref<16384xf32, #tpu.memory_space<hbm>> -> memref<512xf32, #tpu.memory_space<hbm>>
      tpu.enqueue_dma source(%arg17 : memref<512xf32, #tpu.memory_space<vmem>>) target(%dma_start3A_232 : memref<512xf32, #tpu.memory_space<hbm>>) target_semaphore(%run_scoped3A : memref<!tpu.dma_semaphore, #tpu.memory_space<semaphore_mem>>)
      %dma_wait3A_233 = tpu.memref_slice %arg9[%mul3A_2] : memref<16384xf32, #tpu.memory_space<hbm>> -> memref<512xf32, #tpu.memory_space<hbm>>
      %dma_wait3A_234 = tpu.memref_slice %arg9[%mul3A_2] : memref<16384xf32, #tpu.memory_space<hbm>> -> memref<512xf32, #tpu.memory_space<hbm>>
      tpu.wait_dma2 semaphore(%run_scoped3A : memref<!tpu.dma_semaphore, #tpu.memory_space<semaphore_mem>>) src(%arg17 : memref<512xf32, #tpu.memory_space<vmem>>) dst(%dma_wait3A_234 : memref<512xf32, #tpu.memory_space<hbm>>)
      tpu.yield
    }) : () -> ()
    return
  }
}

</mosaic_0001>

<sc_bundles>
// kernel: _mf.3.cloned.1.call-start
scs
__scs_entry_jumppad:
0x0: {  	(pc) =	sbr.rel $0x88, $3  }
0x1: {  	(tag) =	ssettag $0x0;
	lr =	simm.s32 $0x1  }
0x2: {  	[smem:$0x3F9A] =	sst lr;
	_ =	strace $0xD0000000  }
0x3: {  	_ = 	snop  }
0x4: {  	_ = 	snop  }
0x5: {  	_ = 	snop  }
0x6: {  	_ = 	snop  }
0x7: {  	_ = 	snop  }
__scs_overlays_trampoline_lowered:
0x8: {  	[smem:$0x3FA9] =	sst s0  }
0x9: {  	[smem:$0x3FAA] =	sst s1  }
0xa: {  	[smem:$0x3FAB] =	sst s2  }
0xb: {  	[smem:$0x3FAC] =	sst s3  }
0xc: {  	[smem:$0x3FAD] =	sst s4  }
0xd: {  	[smem:$0x3FAE] =	sst s5  }
0xe: {  	[smem:$0x3FAF] =	sst s6  }
0xf: {  	[smem:$0x3FB0] =	sst s7  }
0x10: {  	[smem:$0x3FB1] =	sst s8  }
0x11: {  	[smem:$0x3FB2] =	sst s9;
	s0 =	simm.s32 @!p0 $0x0  }
0x12: {  	s1 =	sld [smem:$0x3F98];
	s0 =	simm.s32 @p0 $0x1  }
0x13: {  	[smem:$0x3FB3] =	sst s0;
	s0 =	simm.s32 @!p1 $0x0  }
0x14: {  	s2 =	sld [smem:$0x3F97];
	s0 =	simm.s32 @p1 $0x1  }
0x15: {  	[smem:$0x3FB4] =	sst s0;
	s0 =	simm.s32 @!p2 $0x0  }
0x16: {  	s3 =	sld [smem:$0x3FDB];
	s0 =	simm.s32 @p2 $0x1  }
0x17: {  	s4 =	simm.s32 $0x1BF5;
	[smem:$0x3FB6] =	sst s0  }
0x18: {  	s0 =	sld [smem:$0x3F99];
	_ =	swait.ge [sflag:s4], $0x0  }
0x19: {  	s7 =	sld [smem:$0x3F9A]  }
0x1a: {  	s8 =	sadd.s32 $0xFFFFE003, lr  }
0x1b: {  	s9 =	sadd.s32 $0xFFFFFEF7, lr;
	s5 =	simm.s32 $0xFFFFFFFF;
	p2 =	slt.u32 s8, $0xFFFFF086  }
0x1c: {  	p1 =	slt.u32 s9, $0xF7A;
	s5 =	simm.s32 @!p2 $0x0  }
0x1d: {  	s5 =	simm.s32 @p1 $0x1;
	p0 =	seq.s32 s7, s2  }
0x1e: {  	s7 =	smul.u32 @!p0 $0xF7A, s2;
	p2 =	seq.s32 @!p0 s5, $0x0  }
0x1f: {  	s9 =	smul.u32 $0xF7A, s1;
	s8 =	simm.s32 @!p0 $0x1BF5;
	p2 =	por !p2, p0  }
0x20: {  	[sflag:s8] =	ssyncset.s32 @!p0 $0xFFFFF086;
	s6 =	sadd.s32 @!p0 s3, s7;
	s7 =	simm.s32 @!p0 $0x108  }
0x21: {  	s3 =	sadd.s32 s3, s9;
	s6 =	sadd.s32 @!p0 $0x88, s6;
	s7 =	simm.s32 @p2 $0x1082  }
0x22: {  	[simem:s7], [sflag:s8] =	dma.local @!p0 [hbm:s6], $0xF7A  }
0x23: {  	s9 =	sor.u32 $0xD0000000, s2;
	s6 =	simm.s32 $0x108;
	_ =	swait.ge @!p0 [sflag:s8], $0x0  }
0x24: {  	s3 =	sadd.s32 $0x88, s3;
	s6 =	simm.s32 @!p1 $0x1082;
	[sflag:s4] =	ssyncset.s32 $0xFFFFF086  }
0x25: {  	[simem:s6], [sflag:s4] =	dma.local [hbm:s3], $0xF7A  }
0x26: {  	[smem:$0x3F9A] =	sst s1;
	(tag) =	ssettag s2;
	_ =	strace s9  }
0x27: {  	s1 =	sld [smem:$0x3FAA]  }
0x28: {  	s2 =	sld [smem:$0x3FAB]  }
0x29: {  	s4 =	sld [smem:$0x3FAD]  }
0x2a: {  	p0 =	seq.s32 s5, $0x0;
	s5 =	sld [smem:$0x3FAE]  }
0x2b: {  	s6 =	sld [smem:$0x3FAF]  }
0x2c: {  	s7 =	sld [smem:$0x3FB0]  }
0x2d: {  	s3 =	simm.s32 $0x108;
	s8 =	sld [smem:$0x3FB1]  }
0x2e: {  	s3 =	simm.s32 @!p0 $0x1082;
	s9 =	sld [smem:$0x3FB2]  }
0x2f: {  	lr =	sadd.s32 s0, s3;
	s0 =	sld [smem:$0x3FA9]  }
0x30: {  	s3 =	sld [smem:$0x3FAC]  }
0x31: {  	[smem:$0x3FB5] =	sst s10  }
0x32: {  	s10 =	sld [smem:$0x3FB3];
	_ =	sdelay $0x3  }
0x33: {  	p0 =	seq.s32 s10, $0x1;
	s10 =	sld [smem:$0x3FB5];
	_ =	sdelay $0x3  }
0x34: {  	[smem:$0x3FB5] =	sst s10  }
0x35: {  	s10 =	sld [smem:$0x3FB4];
	_ =	sdelay $0x3  }
0x36: {  	p1 =	seq.s32 s10, $0x1;
	s10 =	sld [smem:$0x3FB5];
	_ =	sdelay $0x3  }
0x37: {  	[smem:$0x3FB5] =	sst s10  }
0x38: {  	s10 =	sld [smem:$0x3FB6]  }
0x39: {  	_ = 	snop;
	(pc) =	sbr.ind lr, $3  }
0x3a: {  	_ = 	snop  }
0x3b: {  	_ = 	snop  }
0x3c: {  	p2 =	seq.s32 s10, $0x1;
	s10 =	sld [smem:$0x3FB5]  }
0x3d: {  	_ =	shalt  }
0x3e: {  	_ =	shalt  }
0x3f: {  	_ =	shalt  }
0x40: {  	_ =	shalt  }
0x41: {  	_ =	shalt  }
0x42: {  	_ =	shalt  }
0x43: {  	_ =	shalt  }
0x44: {  	_ =	shalt  }
0x45: {  	_ =	shalt  }
0x46: {  	_ =	shalt  }
0x47: {  	_ =	shalt  }
0x48: {  	_ =	shalt  }
0x49: {  	_ =	shalt  }
0x4a: {  	_ =	shalt  }
0x4b: {  	_ =	shalt  }
0x4c: {  	_ =	shalt  }
0x4d: {  	_ =	shalt  }
0x4e: {  	_ =	shalt  }
0x4f: {  	_ =	shalt  }
0x50: {  	_ =	shalt  }
0x51: {  	_ =	shalt  }
0x52: {  	_ =	shalt  }
0x53: {  	_ =	shalt  }
0x54: {  	_ =	shalt  }
0x55: {  	_ =	shalt  }
0x56: {  	_ =	shalt  }
0x57: {  	_ =	shalt  }
0x58: {  	_ =	shalt  }
0x59: {  	_ =	shalt  }
0x5a: {  	_ =	shalt  }
0x5b: {  	_ =	shalt  }
0x5c: {  	_ =	shalt  }
0x5d: {  	_ =	shalt  }
0x5e: {  	_ =	shalt  }
0x5f: {  	_ =	shalt  }
0x60: {  	_ =	shalt  }
0x61: {  	_ =	shalt  }
0x62: {  	_ =	shalt  }
0x63: {  	_ =	shalt  }
0x64: {  	_ =	shalt  }
0x65: {  	_ =	shalt  }
0x66: {  	_ =	shalt  }
0x67: {  	_ =	shalt  }
0x68: {  	_ =	shalt  }
0x69: {  	_ =	shalt  }
0x6a: {  	_ =	shalt  }
0x6b: {  	_ =	shalt  }
0x6c: {  	_ =	shalt  }
0x6d: {  	_ =	shalt  }
0x6e: {  	_ =	shalt  }
0x6f: {  	_ =	shalt  }
0x70: {  	_ =	shalt  }
0x71: {  	_ =	shalt  }
0x72: {  	_ =	shalt  }
0x73: {  	_ =	shalt  }
0x74: {  	_ =	shalt  }
0x75: {  	_ =	shalt  }
0x76: {  	_ =	shalt  }
0x77: {  	_ =	shalt  }
0x78: {  	_ =	shalt  }
0x79: {  	_ =	shalt  }
0x7a: {  	_ =	shalt  }
0x7b: {  	_ =	shalt  }
0x7c: {  	_ =	shalt  }
0x7d: {  	_ =	shalt  }
0x7e: {  	_ =	shalt  }
0x7f: {  	_ =	shalt  }
0x80: {  	_ =	shalt  }
0x81: {  	_ =	shalt  }
0x82: {  	_ =	shalt  }
0x83: {  	_ =	shalt  }
0x84: {  	_ =	shalt  }
0x85: {  	_ =	shalt  }
0x86: {  	_ =	shalt  }
0x87: {  	_ =	shalt  }
.Lfunc_end0:
.L_simem_size_0:
called_computation_lowered:
.L_overlay_start_0:
0x88: {  	s2 =	sld [smem:$0x3FD9]  }
0x89: {  	s3 =	sld [smem:$0x3FFE];
	_ =	sdelay $0x1  }
0x8a: {  	s1 =	srdreg.scid  }
0x8b: {  	s0 =	sand.u32 $0x1, s1  }
0x8c: {  	s17 =	sshll.u32 s0, $0xA;
	s2 =	sadd.s32 s3, s2  }
0x8d: {  	s2 =	sadd.s32 s2, s17  }
0x8e: {  	[smem:$0x3FC1] =	sst s2  }
0x8f: {  	_ = 	snop  }
0x90: {  	s2 =	sld [smem:$0x3FC9]  }
0x91: {  	s18 =	sld [smem:$0x3FC8]  }
0x92: {  	s4 =	sld [smem:$0x3FC5]  }
0x93: {  	s5 =	sld [smem:$0x3FC4]  }
0x94: {  	s6 =	sld [smem:$0x3FC3]  }
0x95: {  	s7 =	sld [smem:$0x3FD0];
	(tm) =	ssettm $0x1  }
0x96: {  	s8 =	sld [smem:$0x3FFB];
	_ =	sdelay $0x3  }
0x97: {  	_ =	strace s8  }
0x98: {  	s8 =	sld [smem:$0x3FFC];
	_ =	sdelay $0x3  }
0x99: {  	_ =	strace s8  }
0x9a: {  	s8 =	sld [smem:$0x3FFD];
	_ =	sdelay $0x3  }
0x9b: {  	_ =	strace s8  }
0x9c: {  	_ =	strace $0x8FFFFFFF  }
0x9d: {  	s19 =	sld [smem:$0x3FDB];
	_ =	sdelay $0x1  }
0x9e: {  	s9 =	simm.s32 $_scs_section_size  }
0x9f: {  	s10 =	simm.s32 $_size__tile_overlayer_lowered;
	s11 =	simm.s32 $_tile_overlayer_lowered  }
0xa0: {  	s22 =	simm.s32 $0x1BFF;
	s21 =	sshll.u32 s11, $0x1;
	s8 =	sadd.s32 s9, s19  }
0xa1: {  	s12 =	simm.s32 $0x0;
	s20 =	sshll.u32 s10, $0x1;
	s10 =	sadd.s32 s21, s8  }
0xa2: {  	[timem:s12], [sflag:s22] =	dma.local [hbm:s10], s20  }
0xa3: {  	_ =	swait.ge [sflag:s22], s20  }
0xa4: {  	s9 =	ssub.s32 $0x0, s20;
	[sflag:s22] =	ssyncset.done $0x0  }
0xa5: {  	[sflag:s22] =	ssyncadd.s32 s9;
	_ =	sdelay $0x1  }
0xa6: {  	s23 =	simm.s32 $0x1B8B  }
0xa7: {  	_ =	swait.ge [sflag:s23], $0x1  }
0xa8: {  	[sflag:s23] =	ssyncset.done $0x0  }
0xa9: {  	s25 =	simm.s32 $0x1B8E;
	s24 =	sld [smem:$0x3FFE];
	[sflag:s23] =	ssyncadd.s32 $0xFFFFFFFF  }
0xaa: {  	s26 =	simm.s32 $execute0_lowered;
	[smem:$0x3FD2] =	sst s25  }
0xab: {  	s10 =	sshll.u32 s26, $0x1;
	_ =	strace $0x80000046;
	[dreg:$0x1] =	wrdreg $0xFFFFFFFF  }
0xac: {  	s28 =	simm.s32 $_size_execute0_lowered;
	s8 =	sadd.s32 s8, s10;
	[dreg:$0x0] =	wrdreg $0x0  }
0xad: {  	s10 =	sshll.u32 s28, $0x1;
	[dreg:$0x2] =	wrdreg s8  }
0xae: {  	[dreg:$0x3] =	wrdreg s10  }
0xaf: {  	[dreg:$0x4] =	wrdreg $0xC0  }
0xb0: {  	_ =	task [dreg:s12], $0x5FFFF  }
0xb1: {  	[dreg:$0x1] =	wrdreg $0xFFFFFFFF  }
0xb2: {  	[dreg:$0x0] =	wrdreg $0x60  }
0xb3: {  	[dreg:$0x2] =	wrdreg s2  }
0xb4: {  	[dreg:$0x3] =	wrdreg s18  }
0xb5: {  	[dreg:$0x4] =	wrdreg s24  }
0xb6: {  	[dreg:$0x5] =	wrdreg s4  }
0xb7: {  	[dreg:$0x6] =	wrdreg s5  }
0xb8: {  	[dreg:$0x7] =	wrdreg s6  }
0xb9: {  	[dreg:$0x8] =	wrdreg s7  }
0xba: {  	[dreg:$0x9] =	wrdreg $0x9  }
0xbb: {  	_ =	task.clear_ibuf [dreg:s12], $0xAFFFF;
	_ =	strace $0x90000046  }
0xbc: {  	s29 =	simm.s32 $0x9;
	_ =	strace $0x80000048  }
0xbd: {  	_ =	swait.ge [sflag:s29], $0x1  }
0xbe: {  	[sflag:s29] =	ssyncadd.s32 $0xFFFFFFFF  }
0xbf: {  	_ =	strace $0x90000048  }
0xc0: {  	_ =	sfence  }
0xc1: {  	s30 =	sld [smem:$0x0];
	_ =	sdelay $0x2  }
0xc2: {  	s31 =	sshll.u32 s1, $0xD;
	s1 =	sshrl.u32 s1, $0x2  }
0xc3: {  	s3 =	sand.u32 $0x4000, s31;
	s1 =	sadd.s32 s1, s30  }
0xc4: {  	s0 =	sor.u32 s3, s0;
	s1 =	sshll.u32 s1, $0x11  }
0xc5: {  	s0 =	sor.u32 s1, s0  }
0xc6: {  	s0 =	sadd.s32 $0x8F2B, s0  }
0xc7: {  	[sflag:s0] =	ssyncadd.remote.s32 $0x1  }
0xc8: {  	_ =	sfence.sel $0xFFFF  }
0xc9: {  	[dreg:$0x0] =	wrdreg $0xFFFFFFFF;
	(pc) =	sbr.abs _section_cstart, $3  }
0xca: {  	[dreg:$0x1] =	wrdreg $0xFFFFFFFF  }
0xcb: {  	_ =	task.clear_ibuf [dreg:s12], $0x2FFFF;
	_ =	strace $0x9FFFFFFF  }
0xcc: {  	(tm) =	ssettm $0x7FFFFFFF  }
0xcd: {  	_ =	shalt  }
tec
execute0_lowered:
.L_overlay_start_1:
0x0: {  	(tag) =	ssettag $0x1  }
0x1: {  	s0 =	rddreg [dreg:$0x0]  }
0x2: {  	s3 =	rddreg [dreg:$0x1]  }
0x3: {  	s5 =	rddreg [dreg:$0x2]  }
0x4: {  	s1 =	rddreg [dreg:$0x3]  }
0x5: {  	s2 =	rddreg [dreg:$0x4]  }
0x6: {  	s8 =	rddreg [dreg:$0x6];
	s4 =	simm.s32 $0x0  }
0x7: {  	s7 =	srdreg.scid;
	s10 =	stileid.u32;
	s12 =	simm.s32 $0x11  }
0x8: {  	s13 =	simm.s32 $0x200;
	s14 =	simm.s32 $0x80;
	s18 =	simm.s32 $0x1  }
0x9: {  	s19 =	simm.s32 $0x5;
	s21 =	simm.s32 $0x9;
	s22 =	simm.s32 $0xD  }
0xa: {  	s23 =	simm.s32 $0x2;
	s28 =	simm.s32 $0xA;
	s29 =	simm.s32 $0xE  }
0xb: {  	s30 =	simm.s32 $0x3;
	s15 =	simm.s32 $0xF;
	s16 =	simm.s32 $0x4  }
0xc: {  	s17 =	simm.s32 $0x8;
	s20 =	simm.s32 $0x0;
	[smem:$0x7FF] =	sst s4  }
0xd: {  	vm0 =	vmmov $0x1;
	s6 =	sadd.s32 $0xF42A00, s5;
	s7 =	sand.u32 $0x1, s7;
	s10 =	sshll.u32 s10, $0x7  }
0xe: {  	vm1 =	vcmask $0x30C;
	vm2 =	vcmask $0xF0C;
	vm3 =	vcmask $0x714;
	_ =	strace $0x80000047;
	s9 =	ssub.s32 $0x2, s7;
	s11 =	sshll.u32 s7, $0x6  }
0xf: {  	vm4 =	vcmask $0xF18;
	vm5 =	vcmask $0x131C;
	vm6 =	vcmask $0x1F1C;
	s7 =	sadd.s32 $0x187000, s5;
	s24 =	sshrl.u32 s9, $0x1;
	s10 =	sor.u32 s11, s10  }
0x10: {  	vm7 =	vcmask $0x1724;
	vm8 =	vcmask $0x1F28;
	vm9 =	vcmask $0x232C;
	s5 =	ssub.s32 s9, s24;
	s0 =	sadd.s32 s0, s10;
	s25 =	sadd.s32 s3, s10  }
0x11: {  	vm10 =	vcmask $0x2F2C;
	vm11 =	vcmask $0x2734;
	vm12 =	vcmask $0x2F38;
	s26 =	sadd.s32 s8, s10;
	s3 =	simm.s32 $0xB;
	[dreg:$0x8] =	wrdreg s0  }
0x12: {  	vm13 =	vcmask $0x333C;
	vm14 =	vmmov $0x3fff;
	vm15 =	vmmov $0x7fff;
	s8 =	simm.s32 $0xC;
	s9 =	simm.s32 $0x10;
	[dreg:$0x9] =	wrdreg s25  }
0x13: {  	vm2 =	vmor vm3, vm2;
	vm3 =	vcmask $0xB14;
	vm6 =	vmor vm7, vm6;
	[dreg:$0xa] =	wrdreg s26;
	s31 =	smax.u32 s5, $0x1;
	s5 =	simm.s32 $0x380  }
0x14: {  	vm7 =	vcmask $0x1B24;
	vm10 =	vmor vm11, vm10;
	vm11 =	vcmask $0x2B34;
	s25 =	simm.s32 $0x6;
	s0 =	simm.s32 $0x7;
	[dreg:$0xb] =	wrdreg s31  }
.LBB2_1:
0x15: {  	s10 =	rddreg [dreg:$0x8]  }
0x16: {  	[tilespmem:s4], [sflag:$0x11] =	stream.linear.gather [hbm4b:s10+s4], $0x200, $0x38;
	[tilespmem:$0x8A10] =	vst v63  }
0x17: {  	_ =	swait.ge [sflag:s12], $0x200  }
0x18: {  	[sflag:s12] =	ssyncset.done $0x0  }
0x19: {  	s24 =	rddreg [dreg:$0x9];
	[sflag:s12] =	ssyncadd.s32 $0xFFFFFE00  }
0x1a: {  	[tilespmem:s13], [sflag:$0x11] =	stream.linear.gather [hbm4b:s24+s4], $0x200, $0x38;
	[tilespmem:$0x8A10] =	vst v63  }
0x1b: {  	_ =	swait.ge [sflag:s12], $0x200  }
0x1c: {  	[sflag:s12] =	ssyncset.done $0x0  }
0x1d: {  	s26 =	simm.s32 $0x400;
	[sflag:s12] =	ssyncadd.s32 $0xFFFFFE00  }
0x1e: {  	[tilespmem:s26], [sflag:$0x1] =	stream.indirect.gather [hbm4b:s6+s14], $0x20, s4, s14, $0xb8;
	[tilespmem:$0x8A10] =	vst v63  }
0x1f: {  	s31 =	simm.s32 $0x4400  }
0x20: {  	[tilespmem:s31], [sflag:$0x5] =	stream.indirect.gather [hbm4b:s7+s14], $0x20, s13, s14, $0xb8;
	[tilespmem:$0x8A10] =	vst v63  }
0x21: {  	s11 =	simm.s32 $0x8400  }
0x22: {  	[tilespmem:s11], [sflag:$0x9] =	stream.indirect.gather [hbm4b:s1+s14], $0x1, s4, s14, $0xb8;
	[tilespmem:$0x8A10] =	vst v63  }
0x23: {  	s24 =	simm.s32 $0x8600  }
0x24: {  	[tilespmem:s24], [sflag:$0xD] =	stream.indirect.gather [hbm4b:s2+s14], $0x1, s13, s14, $0xb8;
	[tilespmem:$0x8A10] =	vst v63  }
0x25: {  	s26 =	simm.s32 $0x1400  }
0x26: {  	[tilespmem:s26], [sflag:$0x2] =	stream.indirect.gather [hbm4b:s6+s14], $0x20, s14, s14, $0xb8;
	[tilespmem:$0x8A10] =	vst v63  }
0x27: {  	s31 =	simm.s32 $0x280;
	s11 =	simm.s32 $0x5400  }
0x28: {  	[tilespmem:s11], [sflag:$0x6] =	stream.indirect.gather [hbm4b:s7+s14], $0x20, s31, s14, $0xb8;
	[tilespmem:$0x8A10] =	vst v63  }
0x29: {  	s24 =	simm.s32 $0x8480  }
0x2a: {  	[tilespmem:s24], [sflag:$0xA] =	stream.indirect.gather [hbm4b:s1+s14], $0x1, s14, s14, $0xb8;
	[tilespmem:$0x8A10] =	vst v63  }
0x2b: {  	s26 =	simm.s32 $0x8680  }
0x2c: {  	[tilespmem:s26], [sflag:$0xE] =	stream.indirect.gather [hbm4b:s2+s14], $0x1, s31, s14, $0xb8;
	[tilespmem:$0x8A10] =	vst v63  }
0x2d: {  	s24 =	simm.s32 $0x2400;
	s31 =	simm.s32 $0x100  }
0x2e: {  	[tilespmem:s24], [sflag:$0x3] =	stream.indirect.gather [hbm4b:s6+s14], $0x20, s31, s14, $0xb8;
	[tilespmem:$0x8A10] =	vst v63  }
0x2f: {  	s11 =	simm.s32 $0x300;
	s24 =	simm.s32 $0x6400  }
0x30: {  	[tilespmem:s24], [sflag:$0x7] =	stream.indirect.gather [hbm4b:s7+s14], $0x20, s11, s14, $0xb8;
	[tilespmem:$0x8A10] =	vst v63  }
0x31: {  	s26 =	simm.s32 $0x8500  }
0x32: {  	[tilespmem:s26], [sflag:$0xB] =	stream.indirect.gather [hbm4b:s1+s14], $0x1, s31, s14, $0xb8;
	[tilespmem:$0x8A10] =	vst v63  }
0x33: {  	s31 =	simm.s32 $0x8700  }
0x34: {  	[tilespmem:s31], [sflag:$0xF] =	stream.indirect.gather [hbm4b:s2+s14], $0x1, s11, s14, $0xb8;
	[tilespmem:$0x8A10] =	vst v63  }
0x35: {  	s10 =	simm.s32 $0x180;
	s24 =	simm.s32 $0x3400  }
0x36: {  	[tilespmem:s24], [sflag:$0x4] =	stream.indirect.gather [hbm4b:s6+s14], $0x20, s10, s14, $0xb8;
	[tilespmem:$0x8A10] =	vst v63  }
0x37: {  	s26 =	simm.s32 $0x7400  }
0x38: {  	[tilespmem:s26], [sflag:$0x8] =	stream.indirect.gather [hbm4b:s7+s14], $0x20, s5, s14, $0xb8;
	[tilespmem:$0x8A10] =	vst v63  }
0x39: {  	s31 =	simm.s32 $0x8580  }
0x3a: {  	[tilespmem:s31], [sflag:$0xC] =	stream.indirect.gather [hbm4b:s1+s14], $0x1, s10, s14, $0xb8;
	[tilespmem:$0x8A10] =	vst v63  }
0x3b: {  	s24 =	simm.s32 $0x8780  }
0x3c: {  	[tilespmem:s24], [sflag:$0x10] =	stream.indirect.gather [hbm4b:s2+s14], $0x1, s5, s14, $0xb8;
	[tilespmem:$0x8A10] =	vst v63  }
0x3d: {  	s26 =	rddreg [dreg:$0x5];
	s31 =	simm.s32 $0x8800  }
0x3e: {  	[tilespmem:s31], [sflag:$0x11] =	stream.linear.gather [hbm4b:s26+s4], $0x10, $0x38;
	[tilespmem:$0x8A10] =	vst v63  }
0x3f: {  	_ =	swait.ge [sflag:s12], $0x10  }
0x40: {  	[sflag:s12] =	ssyncset.done $0x0  }
0x41: {  	[sflag:s12] =	ssyncadd.s32 $0xFFFFFFF0  }
0x42: {  	_ =	swait.ge [sflag:s18], $0x1000  }
0x43: {  	[sflag:s18] =	ssyncset.done $0x0  }
0x44: {  	[sflag:s18] =	ssyncadd.s32 $0xFFFFF000  }
0x45: {  	_ =	swait.ge [sflag:s19], $0x1000  }
0x46: {  	[sflag:s19] =	ssyncset.done $0x0  }
0x47: {  	[sflag:s19] =	ssyncadd.s32 $0xFFFFF000  }
0x48: {  	_ =	swait.ge [sflag:s21], $0x80  }
0x49: {  	[sflag:s21] =	ssyncset.done $0x0  }
0x4a: {  	[sflag:s21] =	ssyncadd.s32 $0xFFFFFF80  }
0x4b: {  	_ =	swait.ge [sflag:s22], $0x80  }
0x4c: {  	[sflag:s22] =	ssyncset.done $0x0  }
0x4d: {  	[sflag:s22] =	ssyncadd.s32 $0xFFFFFF80  }
0x4e: {  	_ =	swait.ge [sflag:s23], $0x1000  }
0x4f: {  	[sflag:s23] =	ssyncset.done $0x0  }
0x50: {  	[sflag:s23] =	ssyncadd.s32 $0xFFFFF000  }
0x51: {  	_ =	swait.ge [sflag:s25], $0x1000  }
0x52: {  	[sflag:s25] =	ssyncset.done $0x0  }
0x53: {  	[sflag:s25] =	ssyncadd.s32 $0xFFFFF000  }
0x54: {  	_ =	swait.ge [sflag:s28], $0x80  }
0x55: {  	[sflag:s28] =	ssyncset.done $0x0  }
0x56: {  	[sflag:s28] =	ssyncadd.s32 $0xFFFFFF80  }
0x57: {  	_ =	swait.ge [sflag:s29], $0x80  }
0x58: {  	[sflag:s29] =	ssyncset.done $0x0  }
0x59: {  	[sflag:s29] =	ssyncadd.s32 $0xFFFFFF80  }
0x5a: {  	_ =	swait.ge [sflag:s30], $0x1000  }
0x5b: {  	[sflag:s30] =	ssyncset.done $0x0  }
0x5c: {  	[sflag:s30] =	ssyncadd.s32 $0xFFFFF000  }
0x5d: {  	_ =	swait.ge [sflag:s0], $0x1000  }
0x5e: {  	[sflag:s0] =	ssyncset.done $0x0  }
0x5f: {  	[sflag:s0] =	ssyncadd.s32 $0xFFFFF000  }
0x60: {  	_ =	swait.ge [sflag:s3], $0x80  }
0x61: {  	[sflag:s3] =	ssyncset.done $0x0  }
0x62: {  	[sflag:s3] =	ssyncadd.s32 $0xFFFFFF80  }
0x63: {  	_ =	swait.ge [sflag:s15], $0x80  }
0x64: {  	[sflag:s15] =	ssyncset.done $0x0  }
0x65: {  	[sflag:s15] =	ssyncadd.s32 $0xFFFFFF80  }
0x66: {  	_ =	swait.ge [sflag:s16], $0x1000  }
0x67: {  	[sflag:s16] =	ssyncset.done $0x0  }
0x68: {  	[sflag:s16] =	ssyncadd.s32 $0xFFFFF000  }
0x69: {  	_ =	swait.ge [sflag:s17], $0x1000  }
0x6a: {  	[sflag:s17] =	ssyncset.done $0x0  }
0x6b: {  	[sflag:s17] =	ssyncadd.s32 $0xFFFFF000  }
0x6c: {  	_ =	swait.ge [sflag:s8], $0x80  }
0x6d: {  	[sflag:s8] =	ssyncset.done $0x0  }
0x6e: {  	[sflag:s8] =	ssyncadd.s32 $0xFFFFFF80  }
0x6f: {  	_ =	swait.ge [sflag:s9], $0x80  }
0x70: {  	[sflag:s9] =	ssyncset.done $0x0  }
0x71: {  	[sflag:s9] =	ssyncadd.s32 $0xFFFFFF80  }
0x72: {  	s10 =	simm.s32 $0x4500;
	v0 =	vld [tilespmem:$0x8800]  }
0x73: {  	s11 =	simm.s32 $0x500;
	v1 =	vld [tilespmem:s10+$0xFFFFFF70]  }
0x74: {  	v2 =	vld [tilespmem:s11+$0xFFFFFF70]  }
0x75: {  	v3 =	vld [tilespmem:s11+$0xFFFFFF60]  }
0x76: {  	v4 =	vld [tilespmem:s10+$0xFFFFFF60]  }
0x77: {  	v5 =	vld [tilespmem:s10+$0xB0]  }
0x78: {  	v6 =	vld [tilespmem:s11+$0xB0]  }
0x79: {  	v7 =	vld [tilespmem:s10+$0x70]  }
0x7a: {  	v8 =	vld [tilespmem:s11+$0x70]  }
0x7b: {  	v9 =	vld [tilespmem:s10+$0xFFFFFFC0]  }
0x7c: {  	v10 =	vld [tilespmem:s11+$0xFFFFFFC0]  }
0x7d: {  	v11 =	vld [tilespmem:s10+$0x30]  }
0x7e: {  	v12 =	vld [tilespmem:s11+$0x30]  }
0x7f: {  	v13 =	vld [tilespmem:s10+$0xFFFFFFF0]  }
0x80: {  	v14 =	vld [tilespmem:s11+$0xFFFFFFF0]  }
0x81: {  	v15 =	vld [tilespmem:s10+$0xFFFFFFB0]  }
0x82: {  	v16 =	vld [tilespmem:s10+$0xFFFFFF50]  }
0x83: {  	v17 =	vld [tilespmem:s10+$0xFFFFFF30]  }
0x84: {  	v18 =	vld [tilespmem:s11+$0xFFFFFF30]  }
0x85: {  	v19 =	vld [tilespmem:s10+$0xFFFFFF20]  }
0x86: {  	v20 =	vld [tilespmem:s11+$0xFFFFFF10]  }
0x87: {  	v21 =	vld [tilespmem:s10+$0xFFFFFF00]  }
0x88: {  	v22 =	vld [tilespmem:s10+$0xFFFFFF10]  }
0x89: {  	v23 =	vld [tilespmem:s11+$0xFFFFFF00]  }
0x8a: {  	v24 =	vld [tilespmem:s11+$0xFFFFFF20]  }
0x8b: {  	v25 =	vld [tilespmem:s11+$0xFFFFFF50]  }
0x8c: {  	v26 =	vld [tilespmem:s10+$0xFFFFFF40]  }
0x8d: {  	v27 =	vld [tilespmem:s11+$0xFFFFFF40]  }
0x8e: {  	v28 =	vld [tilespmem:s11+$0xFFFFFFB0]  }
0x8f: {  	v29 =	vld [tilespmem:s10+$0xFFFFFFA0]  }
0x90: {  	v30 =	vld [tilespmem:s10+$0xFFFFFF90]  }
0x91: {  	v31 =	vld [tilespmem:s11+$0xFFFFFF90]  }
0x92: {  	v32 =	vld [tilespmem:s10+$0xFFFFFF80]  }
0x93: {  	v33 =	vld [tilespmem:s11+$0xFFFFFF80]  }
0x94: {  	v34 =	vld [tilespmem:s11+$0xFFFFFFA0]  }
0x95: {  	v35 =	vld [tilespmem:s10+$0xFFFFFFD0]  }
0x96: {  	s24 =	simm.s32 $0x0;
	v36 =	vld [tilespmem:s11+$0xFFFFFFD0];
	v1 =	vmul.f32 v1, v2;
	v2 =	vmul.f32 v4, v3  }
0x97: {  	v37 =	vld [tilespmem:s24+$0x8600]  }
0x98: {  	v38 =	vld [tilespmem:s24+$0x8400];
	v1 =	vadd.f32 v1, v2  }
0x99: {  	v63 =	vld [tilespmem:s11+$0xFFFFFFE0];
	v4 =	vmul.f32 v21, v23;
	v20 =	vmul.f32 v22, v20  }
0x9a: {  	v39 =	vld [tilespmem:s11+$0x0];
	v19 =	vmul.f32 v19, v24;
	v17 =	vmul.f32 v17, v18;
	(xrf2) =	vadd.scan.msk.f32 $0xffff, v1  }
0x9b: {  	v40 =	vld [tilespmem:s10+$0x20];
	v26 =	vmul.f32 v26, v27;
	v4 =	vadd.f32 v20, v4;
	v1 =	vmul.f32 v16, v25  }
0x9c: {  	v3 =	vld [tilespmem:s10+$0xFFFFFFE0];
	v17 =	vadd.f32 v17, v19  }
0x9d: {  	v24 =	vld [tilespmem:s11+$0x10];
	v33 =	vmul.f32 v32, v33;
	(xrf2) =	vadd.scan.msk.f32 $0xffff, v4;
	v4 =	vmul.f32 v30, v31;
	v1 =	vadd.f32 v1, v26  }
0x9e: {  	v27 =	vld [tilespmem:s10+$0x0];
	(xrf2) =	vadd.scan.msk.f32 $0xffff, v17  }
0x9f: {  	v15 =	vmul.f32 v15, v28;
	v2 =	vld [tilespmem:s10+$0x10];
	v4 =	vadd.f32 v4, v33;
	(xrf2) =	vadd.scan.msk.f32 $0xffff, v1;
	v1 =	vmul.f32 v29, v34  }
0xa0: {  	v41 =	vld [tilespmem:s11+$0x20];
	v44 =	vmul.f32 v35, v36;
	v9 =	vmul.f32 v9, v10  }
0xa1: {  	v43 =	vld [tilespmem:s10+$0x40];
	(xrf2) =	vadd.scan.msk.f32 $0xffff, v4;
	v1 =	vadd.f32 v15, v1  }
0xa2: {  	v10 =	vld [tilespmem:s11+$0x40];
	v9 =	vadd.f32 v44, v9  }
0xa3: {  	v42 =	vld [tilespmem:s10+$0x50];
	v13 =	vmul.f32 v13, v14;
	v3 =	vmul.f32 v3, v63;
	(xrf2) =	vadd.scan.msk.f32 $0xffff, v1  }
0xa4: {  	v45 =	vmul.f32 v27, v39;
	v2 =	vmul.f32 v2, v24;
	v4 =	vld [tilespmem:s11+$0x50];
	v48, _, _ =	vpop (xrf2);
	(xrf2) =	vadd.scan.msk.f32 $0xffff, v9  }
0xa5: {  	v46 =	vld [tilespmem:s11+$0x60];
	v3 =	vadd.f32 v13, v3  }
0xa6: {  	v49 =	vld [tilespmem:s10+$0x90];
	v47 =	vadd.f32 v37, v38;
	v11 =	vmul.f32 v11, v12;
	v2 =	vadd.f32 v2, v45  }
0xa7: {  	v6 =	vmul.f32 v5, v6;
	v10 =	vmul.f32 v43, v10;
	v1 =	vld [tilespmem:s10+$0x60];
	v50, _, _ =	vpop (xrf2);
	(xrf2) =	vadd.scan.msk.f32 $0xffff, v3  }
0xa8: {  	v52 =	vadd.f32 v47, v0;
	v9 =	vmul.f32 v40, v41;
	v3 =	vld [tilespmem:s10+$0x80];
	v12 =	vbroadcast v50, $0xF;
	v53, _, _ =	vpop (xrf2);
	(xrf2) =	vadd.scan.msk.f32 $0xffff, v2  }
0xa9: {  	v4 =	vmul.f32 v42, v4;
	v2 =	vld [tilespmem:s11+$0x80];
	v5 =	vbroadcast v53, $0xF  }
0xaa: {  	v51 =	vld [tilespmem:s11+$0x90];
	v7 =	vmul.f32 v7, v8;
	v9 =	vadd.f32 v11, v9;
	v11, _, _ =	vpop (xrf2);
	v12 =	vadd.f32 v12, v52  }
0xab: {  	v54 =	vld [tilespmem:s10+$0xA0];
	v4 =	vadd.f32 v4, v10;
	v8 =	vbroadcast v11, $0xF;
	v11, _, _ =	vpop (xrf2);
	v5 =	vadd.f32 v5, v52  }
0xac: {  	v55 =	vld [tilespmem:s10+$0xD0];
	v1 =	vmul.f32 v1, v46;
	(xrf2) =	vadd.scan.msk.f32 $0xffff, v9;
	v12 =	vsel vm0, v12, v52;
	v11 =	vbroadcast v11, $0xF  }
0xad: {  	v56 =	vbroadcast v48, $0xF;
	v9 =	vld [tilespmem:s11+$0xA0];
	v8 =	vadd.f32 v8, v12;
	v5 =	vsel vm1, v12, v5;
	v58, _, _ =	vpop (xrf2)  }
0xae: {  	v57 =	vld [tilespmem:s11+$0xD0];
	v1 =	vadd.f32 v7, v1;
	v2 =	vmul.f32 v3, v2;
	v11 =	vadd.f32 v11, v5;
	v7, _, _ =	vpop (xrf2);
	(xrf2) =	vadd.scan.msk.f32 $0xffff, v4  }
0xaf: {  	v59 =	vld [tilespmem:s10+$0xC0];
	v15 =	vadd.f32 v56, v5;
	v5 =	vsel vm2, v5, v8;
	v8 =	vmul.f32 v49, v51  }
0xb0: {  	v61 =	vld [tilespmem:s11+$0xC0];
	v60 =	vbroadcast v58, $0xF  }
0xb1: {  	v5 =	vsel vm3, v5, v15;
	v3 =	vbroadcast v7, $0xF;
	v7, _, _ =	vpop (xrf2);
	v8 =	vadd.f32 v8, v2;
	v2 =	vld [tilespmem:s10+$0xF0];
	(xrf2) =	vadd.scan.msk.f32 $0xffff, v1  }
0xb2: {  	v9 =	vmul.f32 v54, v9;
	v10 =	vadd.f32 v60, v5;
	v11 =	vsel vm4, v5, v11;
	v5 =	vld [tilespmem:s11+$0xF0];
	v4, _, _ =	vpop (xrf2)  }
0xb3: {  	v1 =	vbroadcast v4, $0xF;
	v4 =	vbroadcast v7, $0xF;
	v7 =	vld [tilespmem:s10+$0xE0]  }
0xb4: {  	(xrf2) =	vadd.scan.msk.f32 $0xffff, v8;
	v8 =	vld [tilespmem:s11+$0xE0]  }
0xb5: {  	v62 =	vmul.f32 v55, v57;
	v12 =	vmul.f32 v59, v61;
	v63 =	vadd.f32 v6, v9  }
0xb6: {  	v3 =	vadd.f32 v3, v11;
	v9 =	vsel vm5, v11, v10;
	v6, _, _ =	vpop (xrf2)  }
0xb7: {  	s26 =	simm.s32 $0x40;
	v10 =	vadd.f32 v62, v12;
	(xrf2) =	vadd.scan.msk.f32 $0xffff, v63;
	v6 =	vbroadcast v6, $0xF;
	v1 =	vadd.f32 v1, v9  }
.LBB2_2:
0xb8: {  	p0 =	sne.s32 s26, $0x7C0;
	v4 =	vadd.f32 v4, v9;
	s11 =	sadd.s32 $0x200, s11;
	s10 =	sadd.s32 $0x200, s10;
	v11, _, _ =	vpop (xrf2)  }
0xb9: {  	v3 =	vsel vm6, v9, v3;
	v2 =	vmul.f32 v2, v5;
	s31 =	smov.u32 s26;
	s26 =	sadd.s32 $0x40, s26;
	v7 =	vmul.f32 v7, v8  }
0xba: {  	v3 =	vsel vm7, v3, v4;
	(xrf2) =	vadd.scan.msk.f32 $0xffff, v10  }
0xbb: {  	v5 =	vbroadcast v11, $0xF;
	v4 =	vadd.f32 v6, v3;
	v2 =	vadd.f32 v2, v7;
	v6, _, _ =	vpop (xrf2)  }
0xbc: {  	v1 =	vsel vm8, v3, v1;
	v6 =	vbroadcast v6, $0xF  }
0xbd: {  	v4 =	vsel vm9, v1, v4;
	v1 =	vadd.f32 v5, v1;
	(xrf2) =	vadd.scan.msk.f32 $0xffff, v2  }
0xbe: {  	v2 =	vadd.f32 v6, v4;
	v3, _, _ =	vpop (xrf2)  }
0xbf: {  	v1 =	vsel vm10, v4, v1;
	_ =	sdelay $0x1  }
0xc0: {  	v3 =	vbroadcast v3, $0xF;
	v5, _, _ =	vpop (xrf2)  }
0xc1: {  	v5 =	vbroadcast v5, $0xF  }
0xc2: {  	v3 =	vadd.f32 v3, v4  }
0xc3: {  	v1 =	vsel vm11, v1, v2;
	v2, _, _ =	vpop (xrf2)  }
0xc4: {  	v4 =	vadd.f32 v5, v1;
	v5 =	vbroadcast v2, $0xF  }
0xc5: {  	v1 =	vsel vm12, v1, v3  }
0xc6: {  	v3 =	vsel vm13, v1, v4;
	v1 =	vadd.f32 v5, v1;
	v2, _, _ =	vpop (xrf2)  }
0xc7: {  	v2 =	vadd.f32 v2, v3  }
0xc8: {  	v1 =	vsel vm14, v3, v1  }
0xc9: {  	v1 =	vsel vm15, v1, v2  }
0xca: {  	[tilespmem:s24+$0x8810] =	vst v1  }
0xcb: {  	v1 =	vld [tilespmem:s10+$0xFFFFFF70]  }
0xcc: {  	v2 =	vld [tilespmem:s11+$0xFFFFFF70]  }
0xcd: {  	v3 =	vld [tilespmem:s11+$0xFFFFFF60]  }
0xce: {  	v4 =	vld [tilespmem:s10+$0xFFFFFF60]  }
0xcf: {  	v5 =	vld [tilespmem:s10+$0xB0]  }
0xd0: {  	v6 =	vld [tilespmem:s11+$0xB0]  }
0xd1: {  	v1 =	vmul.f32 v1, v2;
	v2 =	vld [tilespmem:s10+$0x70]  }
0xd2: {  	v7 =	vld [tilespmem:s11+$0x70]  }
0xd3: {  	v3 =	vmul.f32 v4, v3;
	v4 =	vld [tilespmem:s10+$0xFFFFFFC0]  }
0xd4: {  	v8 =	vld [tilespmem:s11+$0xFFFFFFC0]  }
0xd5: {  	v3 =	vadd.f32 v1, v3;
	v9 =	vld [tilespmem:s10+$0x30];
	v1 =	vmul.f32 v5, v6  }
0xd6: {  	v5 =	vld [tilespmem:s11+$0x30]  }
0xd7: {  	v6 =	vld [tilespmem:s10+$0xFFFFFFF0];
	v2 =	vmul.f32 v2, v7;
	(xrf2) =	vadd.scan.msk.f32 $0xffff, v3  }
0xd8: {  	v3 =	vld [tilespmem:s11+$0xFFFFFFF0]  }
0xd9: {  	v7 =	vld [tilespmem:s10+$0xFFFFFFB0]  }
0xda: {  	v10 =	vld [tilespmem:s10+$0xFFFFFF50]  }
0xdb: {  	v11 =	vld [tilespmem:s10+$0xFFFFFF30];
	v5 =	vmul.f32 v9, v5  }
0xdc: {  	v9 =	vld [tilespmem:s11+$0xFFFFFF30]  }
0xdd: {  	v12 =	vld [tilespmem:s10+$0xFFFFFF20];
	v3 =	vmul.f32 v6, v3  }
0xde: {  	v6 =	vld [tilespmem:s11+$0xFFFFFF10]  }
0xdf: {  	v13 =	vld [tilespmem:s10+$0xFFFFFF00]  }
0xe0: {  	v14 =	vld [tilespmem:s10+$0xFFFFFF10]  }
0xe1: {  	v15 =	vld [tilespmem:s11+$0xFFFFFF00];
	v16, _, _ =	vpop (xrf2)  }
0xe2: {  	v17 =	vld [tilespmem:s11+$0xFFFFFF20]  }
0xe3: {  	v18 =	vld [tilespmem:s11+$0xFFFFFF50]  }
0xe4: {  	v19 =	vld [tilespmem:s10+$0xFFFFFF40]  }
0xe5: {  	v20 =	vld [tilespmem:s11+$0xFFFFFF40]  }
0xe6: {  	v6 =	vmul.f32 v14, v6;
	v13 =	vmul.f32 v13, v15;
	v14 =	vld [tilespmem:s11+$0xFFFFFFB0]  }
0xe7: {  	v9 =	vmul.f32 v11, v9;
	v12 =	vmul.f32 v12, v17;
	v11 =	vld [tilespmem:s10+$0xFFFFFFA0]  }
0xe8: {  	v6 =	vadd.f32 v6, v13;
	v10 =	vmul.f32 v10, v18;
	v13 =	vld [tilespmem:s10+$0xFFFFFF90]  }
0xe9: {  	v9 =	vadd.f32 v9, v12;
	v12 =	vld [tilespmem:s11+$0xFFFFFF90]  }
0xea: {  	v15 =	vmul.f32 v19, v20;
	v17 =	vld [tilespmem:s10+$0xFFFFFF80];
	(xrf2) =	vadd.scan.msk.f32 $0xffff, v6  }
0xeb: {  	v6 =	vld [tilespmem:s11+$0xFFFFFF80]  }
0xec: {  	v10 =	vadd.f32 v10, v15;
	v15 =	vld [tilespmem:s11+$0xFFFFFFA0]  }
0xed: {  	v18 =	vld [tilespmem:s10+$0xFFFFFFD0];
	(xrf2) =	vadd.scan.msk.f32 $0xffff, v9  }
0xee: {  	s24 =	sshra.s32 s31, $0x2;
	v9 =	vmul.f32 v13, v12;
	v12 =	vld [tilespmem:s11+$0xFFFFFFD0]  }
0xef: {  	v13 =	vld [tilespmem:s24+$0x8600]  }
0xf0: {  	v19 =	vld [tilespmem:s24+$0x8400];
	v6 =	vmul.f32 v17, v6;
	(xrf2) =	vadd.scan.msk.f32 $0xffff, v10  }
0xf1: {  	v7 =	vmul.f32 v7, v14;
	v10 =	vmul.f32 v11, v15;
	v11 =	vld [tilespmem:s10+$0xFFFFFFE0]  }
0xf2: {  	v6 =	vadd.f32 v9, v6;
	v9 =	vld [tilespmem:s11+$0xFFFFFFE0]  }
0xf3: {  	v7 =	vadd.f32 v7, v10;
	v10 =	vmul.f32 v18, v12;
	v12 =	vld [tilespmem:s10+$0x10]  }
0xf4: {  	v14 =	vld [tilespmem:s11+$0x10];
	v15, _, _ =	vpop (xrf2);
	(xrf2) =	vadd.scan.msk.f32 $0xffff, v6  }
0xf5: {  	v4 =	vmul.f32 v4, v8;
	v6 =	vadd.f32 v13, v19;
	v8 =	vld [tilespmem:s10+$0x0]  }
0xf6: {  	v13 =	vbroadcast v15, $0xF;
	v15 =	vld [tilespmem:s11+$0x0]  }
0xf7: {  	v4 =	vadd.f32 v10, v4;
	v9 =	vmul.f32 v11, v9;
	v10 =	vld [tilespmem:s10+$0x20];
	v11, _, _ =	vpop (xrf2);
	(xrf2) =	vadd.scan.msk.f32 $0xffff, v7  }
0xf8: {  	v7 =	vld [tilespmem:s11+$0x20]  }
0xf9: {  	v3 =	vadd.f32 v3, v9;
	v9 =	vmul.f32 v12, v14;
	v12 =	vld [tilespmem:s10+$0x50]  }
0xfa: {  	v6 =	vadd.f32 v6, v0;
	v11 =	vbroadcast v11, $0xF;
	v14 =	vld [tilespmem:s11+$0x50];
	v17, _, _ =	vpop (xrf2);
	(xrf2) =	vadd.scan.msk.f32 $0xffff, v4  }
0xfb: {  	v4 =	vbroadcast v17, $0xF;
	v8 =	vmul.f32 v8, v15;
	v15 =	vld [tilespmem:s10+$0x40]  }
0xfc: {  	v13 =	vadd.f32 v13, v6;
	v11 =	vadd.f32 v11, v6;
	v17 =	vld [tilespmem:s11+$0x40]  }
0xfd: {  	v8 =	vadd.f32 v9, v8;
	v7 =	vmul.f32 v10, v7;
	v9 =	vld [tilespmem:s10+$0x60];
	(xrf2) =	vadd.scan.msk.f32 $0xffff, v3  }
0xfe: {  	v3 =	vsel vm0, v13, v6;
	v6 =	vld [tilespmem:s11+$0x60];
	v10, _, _ =	vpop (xrf2)  }
0xff: {  	v4 =	vadd.f32 v4, v3;
	v5 =	vadd.f32 v5, v7;
	v7 =	vld [tilespmem:s10+$0x90]  }
0x100: {  	v10 =	vbroadcast v10, $0xF;
	v13 =	vld [tilespmem:s11+$0x90];
	(xrf2) =	vadd.scan.msk.f32 $0xffff, v8  }
0x101: {  	v3 =	vsel vm1, v3, v11;
	v11 =	vmul.f32 v12, v14;
	v8 =	vmul.f32 v15, v17;
	v12 =	vld [tilespmem:s10+$0x80];
	v14, _, _ =	vpop (xrf2)  }
0x102: {  	v17 =	vbroadcast v16, $0xF;
	v10 =	vadd.f32 v10, v3;
	v16 =	vld [tilespmem:s11+$0x80]  }
0x103: {  	v14 =	vbroadcast v14, $0xF;
	v8 =	vadd.f32 v11, v8;
	v6 =	vmul.f32 v9, v6;
	v9 =	vld [tilespmem:s10+$0xA0];
	(xrf2) =	vadd.scan.msk.f32 $0xffff, v5  }
0x104: {  	v5 =	vadd.f32 v17, v3;
	v11 =	vld [tilespmem:s11+$0xA0];
	v15, _, _ =	vpop (xrf2)  }
0x105: {  	v3 =	vsel vm2, v3, v4;
	v6 =	vadd.f32 v2, v6;
	v17 =	vld [tilespmem:s10+$0xD0]  }
0x106: {  	v2 =	vsel vm3, v3, v5;
	v5 =	vmul.f32 v7, v13;
	v7 =	vld [tilespmem:s11+$0xD0];
	(xrf2) =	vadd.scan.msk.f32 $0xffff, v8  }
0x107: {  	v3 =	vbroadcast v15, $0xF;
	v13 =	vadd.f32 v14, v2;
	v8 =	vmul.f32 v12, v16;
	v12 =	vld [tilespmem:s10+$0xC0];
	v4, _, _ =	vpop (xrf2)  }
0x108: {  	v10 =	vsel vm4, v2, v10;
	v4 =	vbroadcast v4, $0xF;
	v14 =	vld [tilespmem:s11+$0xC0]  }
0x109: {  	v3 =	vadd.f32 v3, v10;
	v15 =	vadd.f32 v5, v8;
	v8 =	vmul.f32 v9, v11;
	v2 =	vld [tilespmem:s10+$0xF0];
	(xrf2) =	vadd.scan.msk.f32 $0xffff, v6  }
0x10a: {  	v5 =	vld [tilespmem:s11+$0xF0];
	v6, _, _ =	vpop (xrf2)  }
.Ltmp0:
0x10b: {  	v11 =	vadd.f32 v1, v8;
	v16 =	vmul.f32 v17, v7;
	v7 =	vld [tilespmem:s10+$0xE0];
	(pc) =	sbr.rel @p0 .LBB2_2-.Ltmp0, $4  }
0x10c: {  	v8 =	vld [tilespmem:s11+$0xE0];
	(xrf2) =	vadd.scan.msk.f32 $0xffff, v15  }
0x10d: {  	v1 =	vbroadcast v6, $0xF;
	v12 =	vmul.f32 v12, v14;
	v6, _, _ =	vpop (xrf2)  }
0x10e: {  	v9 =	vsel vm5, v10, v13;
	v6 =	vbroadcast v6, $0xF  }
0x10f: {  	v1 =	vadd.f32 v1, v9;
	v10 =	vadd.f32 v16, v12;
	(xrf2) =	vadd.scan.msk.f32 $0xffff, v11  }
0x110: {  	_ = 	snop  }
0x111: {  	v2 =	vmul.f32 v2, v5;
	v0 =	vmul.f32 v7, v8  }
0x112: {  	(xrf2) =	vadd.scan.msk.f32 $0xffff, v10  }
0x113: {  	v0 =	vadd.f32 v2, v0  }
0x114: {  	v53 =	vadd.f32 v4, v9  }
0x115: {  	v3 =	vsel vm6, v9, v3;
	(xrf2) =	vadd.scan.msk.f32 $0xffff, v0  }
0x116: {  	v54, _, _ =	vpop (xrf2);
	v2 =	vsel vm7, v3, v53  }
0x117: {  	v55, _, _ =	vpop (xrf2);
	v56 =	vadd.f32 v6, v2;
	v0 =	vbroadcast v54, $0xF  }
0x118: {  	v1 =	vsel vm8, v2, v1;
	v57 =	vbroadcast v55, $0xF  }
0x119: {  	v58 =	vsel vm9, v1, v56;
	v59, _, _ =	vpop (xrf2);
	v0 =	vadd.f32 v0, v1  }
0x11a: {  	v2 =	vadd.f32 v57, v58;
	v1 =	vbroadcast v59, $0xF;
	v60, _, _ =	vpop (xrf2)  }
0x11b: {  	v0 =	vsel vm10, v58, v0;
	v4 =	vbroadcast v60, $0xF  }
0x11c: {  	v1 =	vadd.f32 v1, v58;
	v0 =	vsel vm11, v0, v2;
	v61, _, _ =	vpop (xrf2)  }
0x11d: {  	v62 =	vadd.f32 v4, v0;
	v2 =	vbroadcast v61, $0xF  }
0x11e: {  	v0 =	vsel vm12, v0, v1  }
0x11f: {  	v1 =	vsel vm13, v0, v62;
	v0 =	vadd.f32 v2, v0;
	v63, _, _ =	vpop (xrf2)  }
0x120: {  	v2 =	vadd.f32 v63, v1  }
0x121: {  	v0 =	vsel vm14, v1, v0  }
0x122: {  	v0 =	vsel vm15, v0, v2  }
0x123: {  	s10 =	rddreg [dreg:$0xa];
	s11 =	simm.s32 $0x8810;
	[tilespmem:s24+$0x8810] =	vst v0  }
0x124: {  	[hbm4b:s10+s4] =	stream.linear.scatter [tilespmem:s11], [sflag:$0x11], $0x200, $0x38;
	[tilespmem:$0x8A10] =	vst v63  }
0x125: {  	_ =	swait.ge [sflag:s12], $0x200  }
0x126: {  	s20 =	sadd.s32 $0x1, s20;
	s31 =	rddreg [dreg:$0xb]  }
0x127: {  	p0 =	sne.s32 s20, s31  }
.Ltmp1:
0x128: {  	_ = 	snop;
	(pc) =	sbr.rel @p0 .LBB2_1-.Ltmp1, $3  }
0x129: {  	_ =	sdelay $0x1  }
0x12a: {  	[sflag:s12] =	ssyncset.done $0x0  }
0x12b: {  	[sflag:s12] =	ssyncadd.s32 $0xFFFFFE00  }
0x12c: {  	_ =	sfence.sel $0x180000  }
0x12d: {  	[bflag:$0x0] =	sbarrier.arrive $0xFFFF  }
0x12e: {  	_ =	strace $0x90000047  }
0x12f: {  	s0 =	stileid.u32;
	[bflag:$0x2] =	sbarrier.arrive $0xFFFF  }
0x130: {  	p0 =	sne.s32 s0, $0x0;
	s0 =	rddreg [dreg:$0x7]  }
0x131: {  	s0 =	sadd.s32 @!p0 $0x100000, s0  }
0x132: {  	[sflag:s0] =	ssyncadd.tile.s32 @!p0 $0x1;
	_ =	shalt  }
.Lfunc_end2:
_tile_overlayer_lowered:
.L_overlay_start_2:
0x133: {  	(tag) =	ssettag $0x2  }
0x134: {  	s0 =	rddreg [dreg:$0x0];
	s2 =	stileid.u32  }
0x135: {  	s1 =	rddreg [dreg:$0x1];
	p0 =	sne.s32 s2, $0x0  }
0x136: {  	s3 =	rddreg [dreg:$0x2];
	[bflag:$0x3] =	sbarrier.arrive $0xFFFF;
	s2 =	simm.s32 @!p0 $0x1C11  }
0x137: {  	[timem:s3], [sflag:s2] =	dma.local @!p0 [hbm:s0], s1  }
0x138: {  	s0 =	simm.s32 @!p0 $0x11  }
0x139: {  	_ =	swait.ge @!p0 [sflag:s0], s1  }
0x13a: {  	s1 =	ssub.s32 @!p0 $0x0, s1;
	[sflag:s0] =	ssyncset.done @!p0 $0x0  }
0x13b: {  	[sflag:s0] =	ssyncadd.s32 @!p0 s1  }
0x13c: {  	[bflag:$0x3] =	sbarrier.arrive $0xFFFF  }
0x13d: {  	_ =	shalt  }

</sc_bundles>
